<compile_context>
chip_gen: v7x
topology: tpu7x:2x2x1
jax: 0.10.2.dev20260603
libtpu: 0.0.44.dev20260713+nightly
codegen_flags: <defaults>
</compile_context>

<pallas_src>
import functools

import jax
import jax.numpy as jnp
from jax import lax
from jax.experimental import pallas as pl
from jax.experimental.pallas import tpu as pltpu
from jax.experimental.pallas import tpu_sc as plsc

_MAX_LEN = 10000
_D = 512
_B = 16384

_info = plsc.get_sparse_core_info()
_NC = _info.num_cores
_NS = _info.num_subcores
_NW = _NC * _NS
_B_PER_W = _B // _NW
_CHUNK = 32
_NCHUNK = _B_PER_W // _CHUNK
_NBUF = 6


def _gather_body(table_hbm, idx_hbm, out_hbm, idx_v, rows_v, gsem, ssem):
    wid = lax.axis_index("s") * _NC + lax.axis_index("c")
    base = wid * _B_PER_W
    pltpu.sync_copy(idx_hbm.at[pl.ds(base, _B_PER_W)], idx_v)

    def start_gather(c):
        return pltpu.async_copy(
            table_hbm.at[idx_v.at[pl.ds(c * _CHUNK, _CHUNK)]],
            rows_v.at[c % _NBUF],
            gsem.at[c % _NBUF],
        )

    def start_store(c):
        return pltpu.async_copy(
            rows_v.at[c % _NBUF],
            out_hbm.at[pl.ds(base + c * _CHUNK, _CHUNK)],
            ssem.at[c % _NBUF],
        )

    gathers = [None] * _NCHUNK
    stores = [None] * _NCHUNK
    for c in range(_NBUF):
        gathers[c] = start_gather(c)
    for c in range(_NCHUNK):
        gathers[c].wait()
        stores[c] = start_store(c)
        if c + _NBUF < _NCHUNK:
            stores[c].wait()
            gathers[c + _NBUF] = start_gather(c + _NBUF)
    for c in range(_NCHUNK - _NBUF, _NCHUNK):
        stores[c].wait()


@jax.jit
def kernel(timesteps, pos_encoding):
    mesh = plsc.VectorSubcoreMesh(core_axis_name="c", subcore_axis_name="s")
    run = functools.partial(
        pl.kernel,
        mesh=mesh,
        out_type=jax.ShapeDtypeStruct((_B, _D), jnp.float32),
        scratch_types=[
            pltpu.VMEM((_B_PER_W,), jnp.int32),
            pltpu.VMEM((_NBUF, _CHUNK, _D), jnp.float32),
            pltpu.SemaphoreType.DMA((_NBUF,)),
            pltpu.SemaphoreType.DMA((_NBUF,)),
        ],
    )(_gather_body)
    return run(pos_encoding, timesteps.astype(jnp.int32))

# --- scband reference (transcript-rebuilt; emitter-appended) ---
"""Pipeline reference for scband-progress-indicator-embedding-26139170964321 (READ-ONLY COPY).

The authoritative reference and input builder live on the scoring server;
editing this copy changes nothing except your own understanding.
"""

import jax, jax.numpy as jnp
import numpy as np

MAX_LEN = 10000
LATENT_DIM = 512
BATCH = 16384

def _build_pos_encoding(max_len, d_model):
    position = np.arange(max_len, dtype=np.float32)[:, None]
    div_term = np.exp(np.arange(0, d_model, 2, dtype=np.float32) * (-np.log(10000.0) / d_model))
    pe = np.zeros((max_len, d_model), dtype=np.float32)
    pe[:, 0::2] = np.sin(position * div_term)
    pe[:, 1::2] = np.cos(position * div_term)
    return jnp.asarray(pe)

def setup_inputs(seed: int = 0) -> dict:
    key = jax.random.key(seed)
    timesteps = jax.random.randint(key, (BATCH,), 0, MAX_LEN, dtype=jnp.int64 if jax.config.jax_enable_x64 else jnp.int32)
    pos_encoding = _build_pos_encoding(MAX_LEN, LATENT_DIM)
    return {"timesteps": timesteps, "pos_encoding": pos_encoding}

def reference(timesteps, pos_encoding):
    # Faithful translation: self.sequence_pos_encoder.pos_encoding[timesteps]
    return jnp.take(pos_encoding, timesteps, axis=0)

if __name__ == "__main__":
    import jax
    _d = setup_inputs()
    print(jax.jit(kernel)(*tuple(_d.values())))

</pallas_src>

<mosaic_0001>
#map = affine_map<(d0, d1) -> (0, 0)>
#map1 = affine_map<(d0, d1) -> (0)>
module attributes {stable_mosaic.version = 14 : i64} {
  func.func @_gather_body(%arg0: i32, %arg1: i32, %arg2: memref<10000x512xf32, #tpu.memory_space<hbm>>, %arg3: memref<16384xi32, #tpu.memory_space<hbm>>, %arg4: memref<16384x512xf32, #tpu.memory_space<hbm>>, %arg5: memref<512xi32, #tpu.memory_space<vmem>>, %arg6: memref<6x32x512xf32, #tpu.memory_space<vmem>>, %arg7: memref<6x!tpu.dma_semaphore, #tpu.memory_space<semaphore_mem>>, %arg8: memref<6x!tpu.dma_semaphore, #tpu.memory_space<semaphore_mem>>) attributes {dimension_semantics = [#tpu.dimension_semantics<core_parallel>, #tpu.dimension_semantics<subcore_parallel>], iteration_bounds = array<i64: 2, 16>, scalar_prefetch = 0 : i64, scratch_operands = 4 : i64, tpu.core_type = #tpu.core_type<sc_vector_subcore>, window_params = [{transform_indices = #map}, {transform_indices = #map1}, {transform_indices = #map}]} {
    %mul3A = arith.constant 2 : i32
    %mul3A_0 = arith.muli %arg1, %mul3A : i32
    %add3A = arith.addi %mul3A_0, %arg0 : i32
    %mul3A_1 = arith.constant 512 : i32
    %mul3A_2 = arith.muli %add3A, %mul3A_1 : i32
    "tpu.region"() ({
      %run_scoped3A = tpu.sem_alloc : memref<!tpu.dma_semaphore, #tpu.memory_space<semaphore_mem>>
      %dma_start3A_961 = tpu.memref_slice %arg3[%mul3A_2] : memref<16384xi32, #tpu.memory_space<hbm>> -> memref<512xi32, #tpu.memory_space<hbm>>
      %dma_start3A_962 = tpu.memref_slice %arg3[%mul3A_2] : memref<16384xi32, #tpu.memory_space<hbm>> -> memref<512xi32, #tpu.memory_space<hbm>>
      tpu.enqueue_dma source(%dma_start3A_962 : memref<512xi32, #tpu.memory_space<hbm>>) target(%arg5 : memref<512xi32, #tpu.memory_space<vmem>>) target_semaphore(%run_scoped3A : memref<!tpu.dma_semaphore, #tpu.memory_space<semaphore_mem>>)
      %dma_wait3A_963 = tpu.memref_slice %arg3[%mul3A_2] : memref<16384xi32, #tpu.memory_space<hbm>> -> memref<512xi32, #tpu.memory_space<hbm>>
      %dma_wait3A_964 = tpu.memref_slice %arg3[%mul3A_2] : memref<16384xi32, #tpu.memory_space<hbm>> -> memref<512xi32, #tpu.memory_space<hbm>>
      tpu.wait_dma2 semaphore(%run_scoped3A : memref<!tpu.dma_semaphore, #tpu.memory_space<semaphore_mem>>) src(%dma_wait3A_964 : memref<512xi32, #tpu.memory_space<hbm>>) dst(%arg5 : memref<512xi32, #tpu.memory_space<vmem>>)
      tpu.yield
    }) : () -> ()
    %dma_start3A = arith.constant 0 : i32
    %dma_start3A_3 = arith.constant 0 : i32
    %dma_start3A_4 = arith.constant 0 : i32
    %dma_start3A_5 = arith.constant 0 : i32
    %dma_start3A_6 = tpu.memref_slice %arg6[%dma_start3A, %dma_start3A_4, %dma_start3A_5] : memref<6x32x512xf32, #tpu.memory_space<vmem>> -> memref<1x32x512xf32, #tpu.memory_space<vmem>>
    %dma_start3A_7 = tpu.memref_squeeze %dma_start3A_6 : memref<1x32x512xf32, #tpu.memory_space<vmem>> -> memref<32x512xf32, #tpu.memory_space<vmem>>
    %dma_start3A_8 = arith.constant 0 : i32
    %dma_start3A_9 = tpu.memref_slice %arg5[%dma_start3A_8] : memref<512xi32, #tpu.memory_space<vmem>> -> memref<32xi32, #tpu.memory_space<vmem>>
    %dma_start3A_10 = arith.constant 0 : i32
    %dma_start3A_11 = arith.constant 0 : i32
    %dma_start3A_12 = tpu.memref_slice %arg2[%dma_start3A_10, %dma_start3A_11] : memref<10000x512xf32, #tpu.memory_space<hbm>> -> memref<10000x512xf32, #tpu.memory_space<hbm>>
    %dma_start3A_13 = tpu.memref_slice %arg7[%dma_start3A_3] : memref<6x!tpu.dma_semaphore, #tpu.memory_space<semaphore_mem>> -> memref<1x!tpu.dma_semaphore, #tpu.memory_space<semaphore_mem>>
    %dma_start3A_14 = tpu.memref_squeeze %dma_start3A_13 : memref<1x!tpu.dma_semaphore, #tpu.memory_space<semaphore_mem>> -> memref<!tpu.dma_semaphore, #tpu.memory_space<semaphore_mem>>
    tpu.enqueue_indirect_dma source(%dma_start3A_12 : memref<10000x512xf32, #tpu.memory_space<hbm>>) target(%dma_start3A_7 : memref<32x512xf32, #tpu.memory_space<vmem>>) offsets(%dma_start3A_9 : memref<32xi32, #tpu.memory_space<vmem>>) semaphore(%dma_start3A_14 : memref<!tpu.dma_semaphore, #tpu.memory_space<semaphore_mem>>)
    %dma_start3A_15 = arith.constant 1 : i32
    %dma_start3A_16 = arith.constant 1 : i32
    %dma_start3A_17 = arith.constant 0 : i32
    %dma_start3A_18 = arith.constant 0 : i32
    %dma_start3A_19 = tpu.memref_slice %arg6[%dma_start3A_15, %dma_start3A_17, %dma_start3A_18] : memref<6x32x512xf32, #tpu.memory_space<vmem>> -> memref<1x32x512xf32, #tpu.memory_space<vmem>>
    %dma_start3A_20 = tpu.memref_squeeze %dma_start3A_19 : memref<1x32x512xf32, #tpu.memory_space<vmem>> -> memref<32x512xf32, #tpu.memory_space<vmem>>
    %dma_start3A_21 = arith.constant 32 : i32
    %dma_start3A_22 = tpu.memref_slice %arg5[%dma_start3A_21] : memref<512xi32, #tpu.memory_space<vmem>> -> memref<32xi32, #tpu.memory_space<vmem>>
    %dma_start3A_23 = arith.constant 0 : i32
    %dma_start3A_24 = arith.constant 0 : i32
    %dma_start3A_25 = tpu.memref_slice %arg2[%dma_start3A_23, %dma_start3A_24] : memref<10000x512xf32, #tpu.memory_space<hbm>> -> memref<10000x512xf32, #tpu.memory_space<hbm>>
    %dma_start3A_26 = tpu.memref_slice %arg7[%dma_start3A_16] : memref<6x!tpu.dma_semaphore, #tpu.memory_space<semaphore_mem>> -> memref<1x!tpu.dma_semaphore, #tpu.memory_space<semaphore_mem>>
    %dma_start3A_27 = tpu.memref_squeeze %dma_start3A_26 : memref<1x!tpu.dma_semaphore, #tpu.memory_space<semaphore_mem>> -> memref<!tpu.dma_semaphore, #tpu.memory_space<semaphore_mem>>
    tpu.enqueue_indirect_dma source(%dma_start3A_25 : memref<10000x512xf32, #tpu.memory_space<hbm>>) target(%dma_start3A_20 : memref<32x512xf32, #tpu.memory_space<vmem>>) offsets(%dma_start3A_22 : memref<32xi32, #tpu.memory_space<vmem>>) semaphore(%dma_start3A_27 : memref<!tpu.dma_semaphore, #tpu.memory_space<semaphore_mem>>)
    %dma_start3A_28 = arith.constant 2 : i32
    %dma_start3A_29 = arith.constant 2 : i32
    %dma_start3A_30 = arith.constant 0 : i32
    %dma_start3A_31 = arith.constant 0 : i32
    %dma_start3A_32 = tpu.memref_slice %arg6[%dma_start3A_28, %dma_start3A_30, %dma_start3A_31] : memref<6x32x512xf32, #tpu.memory_space<vmem>> -> memref<1x32x512xf32, #tpu.memory_space<vmem>>
    %dma_start3A_33 = tpu.memref_squeeze %dma_start3A_32 : memref<1x32x512xf32, #tpu.memory_space<vmem>> -> memref<32x512xf32, #tpu.memory_space<vmem>>
    %dma_start3A_34 = arith.constant 64 : i32
    %dma_start3A_35 = tpu.memref_slice %arg5[%dma_start3A_34] : memref<512xi32, #tpu.memory_space<vmem>> -> memref<32xi32, #tpu.memory_space<vmem>>
    %dma_start3A_36 = arith.constant 0 : i32
    %dma_start3A_37 = arith.constant 0 : i32
    %dma_start3A_38 = tpu.memref_slice %arg2[%dma_start3A_36, %dma_start3A_37] : memref<10000x512xf32, #tpu.memory_space<hbm>> -> memref<10000x512xf32, #tpu.memory_space<hbm>>
    %dma_start3A_39 = tpu.memref_slice %arg7[%dma_start3A_29] : memref<6x!tpu.dma_semaphore, #tpu.memory_space<semaphore_mem>> -> memref<1x!tpu.dma_semaphore, #tpu.memory_space<semaphore_mem>>
    %dma_start3A_40 = tpu.memref_squeeze %dma_start3A_39 : memref<1x!tpu.dma_semaphore, #tpu.memory_space<semaphore_mem>> -> memref<!tpu.dma_semaphore, #tpu.memory_space<semaphore_mem>>
    tpu.enqueue_indirect_dma source(%dma_start3A_38 : memref<10000x512xf32, #tpu.memory_space<hbm>>) target(%dma_start3A_33 : memref<32x512xf32, #tpu.memory_space<vmem>>) offsets(%dma_start3A_35 : memref<32xi32, #tpu.memory_space<vmem>>) semaphore(%dma_start3A_40 : memref<!tpu.dma_semaphore, #tpu.memory_space<semaphore_mem>>)
    %dma_start3A_41 = arith.constant 3 : i32
    %dma_start3A_42 = arith.constant 3 : i32
    %dma_start3A_43 = arith.constant 0 : i32
    %dma_start3A_44 = arith.constant 0 : i32
    %dma_start3A_45 = tpu.memref_slice %arg6[%dma_start3A_41, %dma_start3A_43, %dma_start3A_44] : memref<6x32x512xf32, #tpu.memory_space<vmem>> -> memref<1x32x512xf32, #tpu.memory_space<vmem>>
    %dma_start3A_46 = tpu.memref_squeeze %dma_start3A_45 : memref<1x32x512xf32, #tpu.memory_space<vmem>> -> memref<32x512xf32, #tpu.memory_space<vmem>>
    %dma_start3A_47 = arith.constant 96 : i32
    %dma_start3A_48 = tpu.memref_slice %arg5[%dma_start3A_47] : memref<512xi32, #tpu.memory_space<vmem>> -> memref<32xi32, #tpu.memory_space<vmem>>
    %dma_start3A_49 = arith.constant 0 : i32
    %dma_start3A_50 = arith.constant 0 : i32
    %dma_start3A_51 = tpu.memref_slice %arg2[%dma_start3A_49, %dma_start3A_50] : memref<10000x512xf32, #tpu.memory_space<hbm>> -> memref<10000x512xf32, #tpu.memory_space<hbm>>
    %dma_start3A_52 = tpu.memref_slice %arg7[%dma_start3A_42] : memref<6x!tpu.dma_semaphore, #tpu.memory_space<semaphore_mem>> -> memref<1x!tpu.dma_semaphore, #tpu.memory_space<semaphore_mem>>
    %dma_start3A_53 = tpu.memref_squeeze %dma_start3A_52 : memref<1x!tpu.dma_semaphore, #tpu.memory_space<semaphore_mem>> -> memref<!tpu.dma_semaphore, #tpu.memory_space<semaphore_mem>>
    tpu.enqueue_indirect_dma source(%dma_start3A_51 : memref<10000x512xf32, #tpu.memory_space<hbm>>) target(%dma_start3A_46 : memref<32x512xf32, #tpu.memory_space<vmem>>) offsets(%dma_start3A_48 : memref<32xi32, #tpu.memory_space<vmem>>) semaphore(%dma_start3A_53 : memref<!tpu.dma_semaphore, #tpu.memory_space<semaphore_mem>>)
    %dma_start3A_54 = arith.constant 4 : i32
    %dma_start3A_55 = arith.constant 4 : i32
    %dma_start3A_56 = arith.constant 0 : i32
    %dma_start3A_57 = arith.constant 0 : i32
    %dma_start3A_58 = tpu.memref_slice %arg6[%dma_start3A_54, %dma_start3A_56, %dma_start3A_57] : memref<6x32x512xf32, #tpu.memory_space<vmem>> -> memref<1x32x512xf32, #tpu.memory_space<vmem>>
    %dma_start3A_59 = tpu.memref_squeeze %dma_start3A_58 : memref<1x32x512xf32, #tpu.memory_space<vmem>> -> memref<32x512xf32, #tpu.memory_space<vmem>>
    %dma_start3A_60 = arith.constant 128 : i32
    %dma_start3A_61 = tpu.memref_slice %arg5[%dma_start3A_60] : memref<512xi32, #tpu.memory_space<vmem>> -> memref<32xi32, #tpu.memory_space<vmem>>
    %dma_start3A_62 = arith.constant 0 : i32
    %dma_start3A_63 = arith.constant 0 : i32
    %dma_start3A_64 = tpu.memref_slice %arg2[%dma_start3A_62, %dma_start3A_63] : memref<10000x512xf32, #tpu.memory_space<hbm>> -> memref<10000x512xf32, #tpu.memory_space<hbm>>
    %dma_start3A_65 = tpu.memref_slice %arg7[%dma_start3A_55] : memref<6x!tpu.dma_semaphore, #tpu.memory_space<semaphore_mem>> -> memref<1x!tpu.dma_semaphore, #tpu.memory_space<semaphore_mem>>
    %dma_start3A_66 = tpu.memref_squeeze %dma_start3A_65 : memref<1x!tpu.dma_semaphore, #tpu.memory_space<semaphore_mem>> -> memref<!tpu.dma_semaphore, #tpu.memory_space<semaphore_mem>>
    tpu.enqueue_indirect_dma source(%dma_start3A_64 : memref<10000x512xf32, #tpu.memory_space<hbm>>) target(%dma_start3A_59 : memref<32x512xf32, #tpu.memory_space<vmem>>) offsets(%dma_start3A_61 : memref<32xi32, #tpu.memory_space<vmem>>) semaphore(%dma_start3A_66 : memref<!tpu.dma_semaphore, #tpu.memory_space<semaphore_mem>>)
    %dma_start3A_67 = arith.constant 5 : i32
    %dma_start3A_68 = arith.constant 5 : i32
    %dma_start3A_69 = arith.constant 0 : i32
    %dma_start3A_70 = arith.constant 0 : i32
    %dma_start3A_71 = tpu.memref_slice %arg6[%dma_start3A_67, %dma_start3A_69, %dma_start3A_70] : memref<6x32x512xf32, #tpu.memory_space<vmem>> -> memref<1x32x512xf32, #tpu.memory_space<vmem>>
    %dma_start3A_72 = tpu.memref_squeeze %dma_start3A_71 : memref<1x32x512xf32, #tpu.memory_space<vmem>> -> memref<32x512xf32, #tpu.memory_space<vmem>>
    %dma_start3A_73 = arith.constant 160 : i32
    %dma_start3A_74 = tpu.memref_slice %arg5[%dma_start3A_73] : memref<512xi32, #tpu.memory_space<vmem>> -> memref<32xi32, #tpu.memory_space<vmem>>
    %dma_start3A_75 = arith.constant 0 : i32
    %dma_start3A_76 = arith.constant 0 : i32
    %dma_start3A_77 = tpu.memref_slice %arg2[%dma_start3A_75, %dma_start3A_76] : memref<10000x512xf32, #tpu.memory_space<hbm>> -> memref<10000x512xf32, #tpu.memory_space<hbm>>
    %dma_start3A_78 = tpu.memref_slice %arg7[%dma_start3A_68] : memref<6x!tpu.dma_semaphore, #tpu.memory_space<semaphore_mem>> -> memref<1x!tpu.dma_semaphore, #tpu.memory_space<semaphore_mem>>
    %dma_start3A_79 = tpu.memref_squeeze %dma_start3A_78 : memref<1x!tpu.dma_semaphore, #tpu.memory_space<semaphore_mem>> -> memref<!tpu.dma_semaphore, #tpu.memory_space<semaphore_mem>>
    tpu.enqueue_indirect_dma source(%dma_start3A_77 : memref<10000x512xf32, #tpu.memory_space<hbm>>) target(%dma_start3A_72 : memref<32x512xf32, #tpu.memory_space<vmem>>) offsets(%dma_start3A_74 : memref<32xi32, #tpu.memory_space<vmem>>) semaphore(%dma_start3A_79 : memref<!tpu.dma_semaphore, #tpu.memory_space<semaphore_mem>>)
    %dma_wait3A = arith.constant 0 : i32
    %dma_wait3A_80 = arith.constant 0 : i32
    %dma_wait3A_81 = arith.constant 0 : i32
    %dma_wait3A_82 = arith.constant 0 : i32
    %dma_wait3A_83 = tpu.memref_slice %arg6[%dma_wait3A, %dma_wait3A_81, %dma_wait3A_82] : memref<6x32x512xf32, #tpu.memory_space<vmem>> -> memref<1x32x512xf32, #tpu.memory_space<vmem>>
    %dma_wait3A_84 = tpu.memref_squeeze %dma_wait3A_83 : memref<1x32x512xf32, #tpu.memory_space<vmem>> -> memref<32x512xf32, #tpu.memory_space<vmem>>
    %dma_wait3A_85 = arith.constant 0 : i32
    %dma_wait3A_86 = tpu.memref_slice %arg5[%dma_wait3A_85] : memref<512xi32, #tpu.memory_space<vmem>> -> memref<32xi32, #tpu.memory_space<vmem>>
    %dma_wait3A_87 = arith.constant 0 : i32
    %dma_wait3A_88 = arith.constant 0 : i32
    %dma_wait3A_89 = tpu.memref_slice %arg2[%dma_wait3A_87, %dma_wait3A_88] : memref<10000x512xf32, #tpu.memory_space<hbm>> -> memref<10000x512xf32, #tpu.memory_space<hbm>>
    %dma_wait3A_90 = tpu.memref_slice %arg7[%dma_wait3A_80] : memref<6x!tpu.dma_semaphore, #tpu.memory_space<semaphore_mem>> -> memref<1x!tpu.dma_semaphore, #tpu.memory_space<semaphore_mem>>
    %dma_wait3A_91 = tpu.memref_squeeze %dma_wait3A_90 : memref<1x!tpu.dma_semaphore, #tpu.memory_space<semaphore_mem>> -> memref<!tpu.dma_semaphore, #tpu.memory_space<semaphore_mem>>
    tpu.wait_indirect_dma semaphore(%dma_wait3A_91 : memref<!tpu.dma_semaphore, #tpu.memory_space<semaphore_mem>>) src(%dma_wait3A_89 : memref<10000x512xf32, #tpu.memory_space<hbm>>) dst(%dma_wait3A_84 : memref<32x512xf32, #tpu.memory_space<vmem>>)
    %add3A_92 = arith.constant 0 : i32
    %add3A_93 = arith.addi %mul3A_2, %add3A_92 : i32
    %dma_start3A_94 = arith.constant 0 : i32
    %dma_start3A_95 = arith.constant 0 : i32
    %dma_start3A_96 = arith.constant 0 : i32
    %dma_start3A_97 = arith.constant 0 : i32
    %dma_start3A_98 = tpu.memref_slice %arg6[%dma_start3A_94, %dma_start3A_96, %dma_start3A_97] : memref<6x32x512xf32, #tpu.memory_space<vmem>> -> memref<1x32x512xf32, #tpu.memory_space<vmem>>
    %dma_start3A_99 = tpu.memref_squeeze %dma_start3A_98 : memref<1x32x512xf32, #tpu.memory_space<vmem>> -> memref<32x512xf32, #tpu.memory_space<vmem>>
    %dma_start3A_100 = arith.constant 0 : i32
    %dma_start3A_101 = tpu.memref_slice %arg4[%add3A_93, %dma_start3A_100] : memref<16384x512xf32, #tpu.memory_space<hbm>> -> memref<32x512xf32, #tpu.memory_space<hbm>>
    %dma_start3A_102 = tpu.memref_slice %arg8[%dma_start3A_95] : memref<6x!tpu.dma_semaphore, #tpu.memory_space<semaphore_mem>> -> memref<1x!tpu.dma_semaphore, #tpu.memory_space<semaphore_mem>>
    %dma_start3A_103 = tpu.memref_squeeze %dma_start3A_102 : memref<1x!tpu.dma_semaphore, #tpu.memory_space<semaphore_mem>> -> memref<!tpu.dma_semaphore, #tpu.memory_space<semaphore_mem>>
    %dma_start3A_104 = arith.constant 0 : i32
    %dma_start3A_105 = tpu.memref_slice %arg4[%add3A_93, %dma_start3A_104] : memref<16384x512xf32, #tpu.memory_space<hbm>> -> memref<32x512xf32, #tpu.memory_space<hbm>>
    %dma_start3A_106 = arith.constant 0 : i32
    %dma_start3A_107 = arith.constant 0 : i32
    %dma_start3A_108 = tpu.memref_slice %arg6[%dma_start3A_94, %dma_start3A_106, %dma_start3A_107] : memref<6x32x512xf32, #tpu.memory_space<vmem>> -> memref<1x32x512xf32, #tpu.memory_space<vmem>>
    %dma_start3A_109 = tpu.memref_squeeze %dma_start3A_108 : memref<1x32x512xf32, #tpu.memory_space<vmem>> -> memref<32x512xf32, #tpu.memory_space<vmem>>
    tpu.enqueue_dma source(%dma_start3A_109 : memref<32x512xf32, #tpu.memory_space<vmem>>) target(%dma_start3A_105 : memref<32x512xf32, #tpu.memory_space<hbm>>) target_semaphore(%dma_start3A_103 : memref<!tpu.dma_semaphore, #tpu.memory_space<semaphore_mem>>)
    %dma_wait3A_110 = arith.constant 0 : i32
    %dma_wait3A_111 = arith.constant 0 : i32
    %dma_wait3A_112 = arith.constant 0 : i32
    %dma_wait3A_113 = arith.constant 0 : i32
    %dma_wait3A_114 = tpu.memref_slice %arg6[%dma_wait3A_110, %dma_wait3A_112, %dma_wait3A_113] : memref<6x32x512xf32, #tpu.memory_space<vmem>> -> memref<1x32x512xf32, #tpu.memory_space<vmem>>
    %dma_wait3A_115 = tpu.memref_squeeze %dma_wait3A_114 : memref<1x32x512xf32, #tpu.memory_space<vmem>> -> memref<32x512xf32, #tpu.memory_space<vmem>>
    %dma_wait3A_116 = arith.constant 0 : i32
    %dma_wait3A_117 = tpu.memref_slice %arg4[%add3A_93, %dma_wait3A_116] : memref<16384x512xf32, #tpu.memory_space<hbm>> -> memref<32x512xf32, #tpu.memory_space<hbm>>
    %dma_wait3A_118 = tpu.memref_slice %arg8[%dma_wait3A_111] : memref<6x!tpu.dma_semaphore, #tpu.memory_space<semaphore_mem>> -> memref<1x!tpu.dma_semaphore, #tpu.memory_space<semaphore_mem>>
    %dma_wait3A_119 = tpu.memref_squeeze %dma_wait3A_118 : memref<1x!tpu.dma_semaphore, #tpu.memory_space<semaphore_mem>> -> memref<!tpu.dma_semaphore, #tpu.memory_space<semaphore_mem>>
    %dma_wait3A_120 = arith.constant 0 : i32
    %dma_wait3A_121 = tpu.memref_slice %arg4[%add3A_93, %dma_wait3A_120] : memref<16384x512xf32, #tpu.memory_space<hbm>> -> memref<32x512xf32, #tpu.memory_space<hbm>>
    %dma_wait3A_122 = arith.constant 0 : i32
    %dma_wait3A_123 = arith.constant 0 : i32
    %dma_wait3A_124 = tpu.memref_slice %arg6[%dma_wait3A_110, %dma_wait3A_122, %dma_wait3A_123] : memref<6x32x512xf32, #tpu.memory_space<vmem>> -> memref<1x32x512xf32, #tpu.memory_space<vmem>>
    %dma_wait3A_125 = tpu.memref_squeeze %dma_wait3A_124 : memref<1x32x512xf32, #tpu.memory_space<vmem>> -> memref<32x512xf32, #tpu.memory_space<vmem>>
    tpu.wait_dma2 semaphore(%dma_wait3A_119 : memref<!tpu.dma_semaphore, #tpu.memory_space<semaphore_mem>>) src(%dma_wait3A_125 : memref<32x512xf32, #tpu.memory_space<vmem>>) dst(%dma_wait3A_121 : memref<32x512xf32, #tpu.memory_space<hbm>>)
    %dma_start3A_126 = arith.constant 0 : i32
    %dma_start3A_127 = arith.constant 0 : i32
    %dma_start3A_128 = arith.constant 0 : i32
    %dma_start3A_129 = arith.constant 0 : i32
    %dma_start3A_130 = tpu.memref_slice %arg6[%dma_start3A_126, %dma_start3A_128, %dma_start3A_129] : memref<6x32x512xf32, #tpu.memory_space<vmem>> -> memref<1x32x512xf32, #tpu.memory_space<vmem>>
    %dma_start3A_131 = tpu.memref_squeeze %dma_start3A_130 : memref<1x32x512xf32, #tpu.memory_space<vmem>> -> memref<32x512xf32, #tpu.memory_space<vmem>>
    %dma_start3A_132 = arith.constant 192 : i32
    %dma_start3A_133 = tpu.memref_slice %arg5[%dma_start3A_132] : memref<512xi32, #tpu.memory_space<vmem>> -> memref<32xi32, #tpu.memory_space<vmem>>
    %dma_start3A_134 = arith.constant 0 : i32
    %dma_start3A_135 = arith.constant 0 : i32
    %dma_start3A_136 = tpu.memref_slice %arg2[%dma_start3A_134, %dma_start3A_135] : memref<10000x512xf32, #tpu.memory_space<hbm>> -> memref<10000x512xf32, #tpu.memory_space<hbm>>
    %dma_start3A_137 = tpu.memref_slice %arg7[%dma_start3A_127] : memref<6x!tpu.dma_semaphore, #tpu.memory_space<semaphore_mem>> -> memref<1x!tpu.dma_semaphore, #tpu.memory_space<semaphore_mem>>
    %dma_start3A_138 = tpu.memref_squeeze %dma_start3A_137 : memref<1x!tpu.dma_semaphore, #tpu.memory_space<semaphore_mem>> -> memref<!tpu.dma_semaphore, #tpu.memory_space<semaphore_mem>>
    tpu.enqueue_indirect_dma source(%dma_start3A_136 : memref<10000x512xf32, #tpu.memory_space<hbm>>) target(%dma_start3A_131 : memref<32x512xf32, #tpu.memory_space<vmem>>) offsets(%dma_start3A_133 : memref<32xi32, #tpu.memory_space<vmem>>) semaphore(%dma_start3A_138 : memref<!tpu.dma_semaphore, #tpu.memory_space<semaphore_mem>>)
    %dma_wait3A_139 = arith.constant 1 : i32
    %dma_wait3A_140 = arith.constant 1 : i32
    %dma_wait3A_141 = arith.constant 0 : i32
    %dma_wait3A_142 = arith.constant 0 : i32
    %dma_wait3A_143 = tpu.memref_slice %arg6[%dma_wait3A_139, %dma_wait3A_141, %dma_wait3A_142] : memref<6x32x512xf32, #tpu.memory_space<vmem>> -> memref<1x32x512xf32, #tpu.memory_space<vmem>>
    %dma_wait3A_144 = tpu.memref_squeeze %dma_wait3A_143 : memref<1x32x512xf32, #tpu.memory_space<vmem>> -> memref<32x512xf32, #tpu.memory_space<vmem>>
    %dma_wait3A_145 = arith.constant 32 : i32
    %dma_wait3A_146 = tpu.memref_slice %arg5[%dma_wait3A_145] : memref<512xi32, #tpu.memory_space<vmem>> -> memref<32xi32, #tpu.memory_space<vmem>>
    %dma_wait3A_147 = arith.constant 0 : i32
    %dma_wait3A_148 = arith.constant 0 : i32
    %dma_wait3A_149 = tpu.memref_slice %arg2[%dma_wait3A_147, %dma_wait3A_148] : memref<10000x512xf32, #tpu.memory_space<hbm>> -> memref<10000x512xf32, #tpu.memory_space<hbm>>
    %dma_wait3A_150 = tpu.memref_slice %arg7[%dma_wait3A_140] : memref<6x!tpu.dma_semaphore, #tpu.memory_space<semaphore_mem>> -> memref<1x!tpu.dma_semaphore, #tpu.memory_space<semaphore_mem>>
    %dma_wait3A_151 = tpu.memref_squeeze %dma_wait3A_150 : memref<1x!tpu.dma_semaphore, #tpu.memory_space<semaphore_mem>> -> memref<!tpu.dma_semaphore, #tpu.memory_space<semaphore_mem>>
    tpu.wait_indirect_dma semaphore(%dma_wait3A_151 : memref<!tpu.dma_semaphore, #tpu.memory_space<semaphore_mem>>) src(%dma_wait3A_149 : memref<10000x512xf32, #tpu.memory_space<hbm>>) dst(%dma_wait3A_144 : memref<32x512xf32, #tpu.memory_space<vmem>>)
    %add3A_152 = arith.constant 32 : i32
    %add3A_153 = arith.addi %mul3A_2, %add3A_152 : i32
    %dma_start3A_154 = arith.constant 1 : i32
    %dma_start3A_155 = arith.constant 1 : i32
    %dma_start3A_156 = arith.constant 0 : i32
    %dma_start3A_157 = arith.constant 0 : i32
    %dma_start3A_158 = tpu.memref_slice %arg6[%dma_start3A_154, %dma_start3A_156, %dma_start3A_157] : memref<6x32x512xf32, #tpu.memory_space<vmem>> -> memref<1x32x512xf32, #tpu.memory_space<vmem>>
    %dma_start3A_159 = tpu.memref_squeeze %dma_start3A_158 : memref<1x32x512xf32, #tpu.memory_space<vmem>> -> memref<32x512xf32, #tpu.memory_space<vmem>>
    %dma_start3A_160 = arith.constant 0 : i32
    %dma_start3A_161 = tpu.memref_slice %arg4[%add3A_153, %dma_start3A_160] : memref<16384x512xf32, #tpu.memory_space<hbm>> -> memref<32x512xf32, #tpu.memory_space<hbm>>
    %dma_start3A_162 = tpu.memref_slice %arg8[%dma_start3A_155] : memref<6x!tpu.dma_semaphore, #tpu.memory_space<semaphore_mem>> -> memref<1x!tpu.dma_semaphore, #tpu.memory_space<semaphore_mem>>
    %dma_start3A_163 = tpu.memref_squeeze %dma_start3A_162 : memref<1x!tpu.dma_semaphore, #tpu.memory_space<semaphore_mem>> -> memref<!tpu.dma_semaphore, #tpu.memory_space<semaphore_mem>>
    %dma_start3A_164 = arith.constant 0 : i32
    %dma_start3A_165 = tpu.memref_slice %arg4[%add3A_153, %dma_start3A_164] : memref<16384x512xf32, #tpu.memory_space<hbm>> -> memref<32x512xf32, #tpu.memory_space<hbm>>
    %dma_start3A_166 = arith.constant 0 : i32
    %dma_start3A_167 = arith.constant 0 : i32
    %dma_start3A_168 = tpu.memref_slice %arg6[%dma_start3A_154, %dma_start3A_166, %dma_start3A_167] : memref<6x32x512xf32, #tpu.memory_space<vmem>> -> memref<1x32x512xf32, #tpu.memory_space<vmem>>
    %dma_start3A_169 = tpu.memref_squeeze %dma_start3A_168 : memref<1x32x512xf32, #tpu.memory_space<vmem>> -> memref<32x512xf32, #tpu.memory_space<vmem>>
    tpu.enqueue_dma source(%dma_start3A_169 : memref<32x512xf32, #tpu.memory_space<vmem>>) target(%dma_start3A_165 : memref<32x512xf32, #tpu.memory_space<hbm>>) target_semaphore(%dma_start3A_163 : memref<!tpu.dma_semaphore, #tpu.memory_space<semaphore_mem>>)
    %dma_wait3A_170 = arith.constant 1 : i32
    %dma_wait3A_171 = arith.constant 1 : i32
    %dma_wait3A_172 = arith.constant 0 : i32
    %dma_wait3A_173 = arith.constant 0 : i32
    %dma_wait3A_174 = tpu.memref_slice %arg6[%dma_wait3A_170, %dma_wait3A_172, %dma_wait3A_173] : memref<6x32x512xf32, #tpu.memory_space<vmem>> -> memref<1x32x512xf32, #tpu.memory_space<vmem>>
    %dma_wait3A_175 = tpu.memref_squeeze %dma_wait3A_174 : memref<1x32x512xf32, #tpu.memory_space<vmem>> -> memref<32x512xf32, #tpu.memory_space<vmem>>
    %dma_wait3A_176 = arith.constant 0 : i32
    %dma_wait3A_177 = tpu.memref_slice %arg4[%add3A_153, %dma_wait3A_176] : memref<16384x512xf32, #tpu.memory_space<hbm>> -> memref<32x512xf32, #tpu.memory_space<hbm>>
    %dma_wait3A_178 = tpu.memref_slice %arg8[%dma_wait3A_171] : memref<6x!tpu.dma_semaphore, #tpu.memory_space<semaphore_mem>> -> memref<1x!tpu.dma_semaphore, #tpu.memory_space<semaphore_mem>>
    %dma_wait3A_179 = tpu.memref_squeeze %dma_wait3A_178 : memref<1x!tpu.dma_semaphore, #tpu.memory_space<semaphore_mem>> -> memref<!tpu.dma_semaphore, #tpu.memory_space<semaphore_mem>>
    %dma_wait3A_180 = arith.constant 0 : i32
    %dma_wait3A_181 = tpu.memref_slice %arg4[%add3A_153, %dma_wait3A_180] : memref<16384x512xf32, #tpu.memory_space<hbm>> -> memref<32x512xf32, #tpu.memory_space<hbm>>
    %dma_wait3A_182 = arith.constant 0 : i32
    %dma_wait3A_183 = arith.constant 0 : i32
    %dma_wait3A_184 = tpu.memref_slice %arg6[%dma_wait3A_170, %dma_wait3A_182, %dma_wait3A_183] : memref<6x32x512xf32, #tpu.memory_space<vmem>> -> memref<1x32x512xf32, #tpu.memory_space<vmem>>
    %dma_wait3A_185 = tpu.memref_squeeze %dma_wait3A_184 : memref<1x32x512xf32, #tpu.memory_space<vmem>> -> memref<32x512xf32, #tpu.memory_space<vmem>>
    tpu.wait_dma2 semaphore(%dma_wait3A_179 : memref<!tpu.dma_semaphore, #tpu.memory_space<semaphore_mem>>) src(%dma_wait3A_185 : memref<32x512xf32, #tpu.memory_space<vmem>>) dst(%dma_wait3A_181 : memref<32x512xf32, #tpu.memory_space<hbm>>)
    %dma_start3A_186 = arith.constant 1 : i32
    %dma_start3A_187 = arith.constant 1 : i32
    %dma_start3A_188 = arith.constant 0 : i32
    %dma_start3A_189 = arith.constant 0 : i32
    %dma_start3A_190 = tpu.memref_slice %arg6[%dma_start3A_186, %dma_start3A_188, %dma_start3A_189] : memref<6x32x512xf32, #tpu.memory_space<vmem>> -> memref<1x32x512xf32, #tpu.memory_space<vmem>>
    %dma_start3A_191 = tpu.memref_squeeze %dma_start3A_190 : memref<1x32x512xf32, #tpu.memory_space<vmem>> -> memref<32x512xf32, #tpu.memory_space<vmem>>
    %dma_start3A_192 = arith.constant 224 : i32
    %dma_start3A_193 = tpu.memref_slice %arg5[%dma_start3A_192] : memref<512xi32, #tpu.memory_space<vmem>> -> memref<32xi32, #tpu.memory_space<vmem>>
    %dma_start3A_194 = arith.constant 0 : i32
    %dma_start3A_195 = arith.constant 0 : i32
    %dma_start3A_196 = tpu.memref_slice %arg2[%dma_start3A_194, %dma_start3A_195] : memref<10000x512xf32, #tpu.memory_space<hbm>> -> memref<10000x512xf32, #tpu.memory_space<hbm>>
    %dma_start3A_197 = tpu.memref_slice %arg7[%dma_start3A_187] : memref<6x!tpu.dma_semaphore, #tpu.memory_space<semaphore_mem>> -> memref<1x!tpu.dma_semaphore, #tpu.memory_space<semaphore_mem>>
    %dma_start3A_198 = tpu.memref_squeeze %dma_start3A_197 : memref<1x!tpu.dma_semaphore, #tpu.memory_space<semaphore_mem>> -> memref<!tpu.dma_semaphore, #tpu.memory_space<semaphore_mem>>
    tpu.enqueue_indirect_dma source(%dma_start3A_196 : memref<10000x512xf32, #tpu.memory_space<hbm>>) target(%dma_start3A_191 : memref<32x512xf32, #tpu.memory_space<vmem>>) offsets(%dma_start3A_193 : memref<32xi32, #tpu.memory_space<vmem>>) semaphore(%dma_start3A_198 : memref<!tpu.dma_semaphore, #tpu.memory_space<semaphore_mem>>)
    %dma_wait3A_199 = arith.constant 2 : i32
    %dma_wait3A_200 = arith.constant 2 : i32
    %dma_wait3A_201 = arith.constant 0 : i32
    %dma_wait3A_202 = arith.constant 0 : i32
    %dma_wait3A_203 = tpu.memref_slice %arg6[%dma_wait3A_199, %dma_wait3A_201, %dma_wait3A_202] : memref<6x32x512xf32, #tpu.memory_space<vmem>> -> memref<1x32x512xf32, #tpu.memory_space<vmem>>
    %dma_wait3A_204 = tpu.memref_squeeze %dma_wait3A_203 : memref<1x32x512xf32, #tpu.memory_space<vmem>> -> memref<32x512xf32, #tpu.memory_space<vmem>>
    %dma_wait3A_205 = arith.constant 64 : i32
    %dma_wait3A_206 = tpu.memref_slice %arg5[%dma_wait3A_205] : memref<512xi32, #tpu.memory_space<vmem>> -> memref<32xi32, #tpu.memory_space<vmem>>
    %dma_wait3A_207 = arith.constant 0 : i32
    %dma_wait3A_208 = arith.constant 0 : i32
    %dma_wait3A_209 = tpu.memref_slice %arg2[%dma_wait3A_207, %dma_wait3A_208] : memref<10000x512xf32, #tpu.memory_space<hbm>> -> memref<10000x512xf32, #tpu.memory_space<hbm>>
    %dma_wait3A_210 = tpu.memref_slice %arg7[%dma_wait3A_200] : memref<6x!tpu.dma_semaphore, #tpu.memory_space<semaphore_mem>> -> memref<1x!tpu.dma_semaphore, #tpu.memory_space<semaphore_mem>>
    %dma_wait3A_211 = tpu.memref_squeeze %dma_wait3A_210 : memref<1x!tpu.dma_semaphore, #tpu.memory_space<semaphore_mem>> -> memref<!tpu.dma_semaphore, #tpu.memory_space<semaphore_mem>>
    tpu.wait_indirect_dma semaphore(%dma_wait3A_211 : memref<!tpu.dma_semaphore, #tpu.memory_space<semaphore_mem>>) src(%dma_wait3A_209 : memref<10000x512xf32, #tpu.memory_space<hbm>>) dst(%dma_wait3A_204 : memref<32x512xf32, #tpu.memory_space<vmem>>)
    %add3A_212 = arith.constant 64 : i32
    %add3A_213 = arith.addi %mul3A_2, %add3A_212 : i32
    %dma_start3A_214 = arith.constant 2 : i32
    %dma_start3A_215 = arith.constant 2 : i32
    %dma_start3A_216 = arith.constant 0 : i32
    %dma_start3A_217 = arith.constant 0 : i32
    %dma_start3A_218 = tpu.memref_slice %arg6[%dma_start3A_214, %dma_start3A_216, %dma_start3A_217] : memref<6x32x512xf32, #tpu.memory_space<vmem>> -> memref<1x32x512xf32, #tpu.memory_space<vmem>>
    %dma_start3A_219 = tpu.memref_squeeze %dma_start3A_218 : memref<1x32x512xf32, #tpu.memory_space<vmem>> -> memref<32x512xf32, #tpu.memory_space<vmem>>
    %dma_start3A_220 = arith.constant 0 : i32
    %dma_start3A_221 = tpu.memref_slice %arg4[%add3A_213, %dma_start3A_220] : memref<16384x512xf32, #tpu.memory_space<hbm>> -> memref<32x512xf32, #tpu.memory_space<hbm>>
    %dma_start3A_222 = tpu.memref_slice %arg8[%dma_start3A_215] : memref<6x!tpu.dma_semaphore, #tpu.memory_space<semaphore_mem>> -> memref<1x!tpu.dma_semaphore, #tpu.memory_space<semaphore_mem>>
    %dma_start3A_223 = tpu.memref_squeeze %dma_start3A_222 : memref<1x!tpu.dma_semaphore, #tpu.memory_space<semaphore_mem>> -> memref<!tpu.dma_semaphore, #tpu.memory_space<semaphore_mem>>
    %dma_start3A_224 = arith.constant 0 : i32
    %dma_start3A_225 = tpu.memref_slice %arg4[%add3A_213, %dma_start3A_224] : memref<16384x512xf32, #tpu.memory_space<hbm>> -> memref<32x512xf32, #tpu.memory_space<hbm>>
    %dma_start3A_226 = arith.constant 0 : i32
    %dma_start3A_227 = arith.constant 0 : i32
    %dma_start3A_228 = tpu.memref_slice %arg6[%dma_start3A_214, %dma_start3A_226, %dma_start3A_227] : memref<6x32x512xf32, #tpu.memory_space<vmem>> -> memref<1x32x512xf32, #tpu.memory_space<vmem>>
    %dma_start3A_229 = tpu.memref_squeeze %dma_start3A_228 : memref<1x32x512xf32, #tpu.memory_space<vmem>> -> memref<32x512xf32, #tpu.memory_space<vmem>>
    tpu.enqueue_dma source(%dma_start3A_229 : memref<32x512xf32, #tpu.memory_space<vmem>>) target(%dma_start3A_225 : memref<32x512xf32, #tpu.memory_space<hbm>>) target_semaphore(%dma_start3A_223 : memref<!tpu.dma_semaphore, #tpu.memory_space<semaphore_mem>>)
    %dma_wait3A_230 = arith.constant 2 : i32
    %dma_wait3A_231 = arith.constant 2 : i32
    %dma_wait3A_232 = arith.constant 0 : i32
    %dma_wait3A_233 = arith.constant 0 : i32
    %dma_wait3A_234 = tpu.memref_slice %arg6[%dma_wait3A_230, %dma_wait3A_232, %dma_wait3A_233] : memref<6x32x512xf32, #tpu.memory_space<vmem>> -> memref<1x32x512xf32, #tpu.memory_space<vmem>>
    %dma_wait3A_235 = tpu.memref_squeeze %dma_wait3A_234 : memref<1x32x512xf32, #tpu.memory_space<vmem>> -> memref<32x512xf32, #tpu.memory_space<vmem>>
    %dma_wait3A_236 = arith.constant 0 : i32
    %dma_wait3A_237 = tpu.memref_slice %arg4[%add3A_213, %dma_wait3A_236] : memref<16384x512xf32, #tpu.memory_space<hbm>> -> memref<32x512xf32, #tpu.memory_space<hbm>>
    %dma_wait3A_238 = tpu.memref_slice %arg8[%dma_wait3A_231] : memref<6x!tpu.dma_semaphore, #tpu.memory_space<semaphore_mem>> -> memref<1x!tpu.dma_semaphore, #tpu.memory_space<semaphore_mem>>
    %dma_wait3A_239 = tpu.memref_squeeze %dma_wait3A_238 : memref<1x!tpu.dma_semaphore, #tpu.memory_space<semaphore_mem>> -> memref<!tpu.dma_semaphore, #tpu.memory_space<semaphore_mem>>
    %dma_wait3A_240 = arith.constant 0 : i32
    %dma_wait3A_241 = tpu.memref_slice %arg4[%add3A_213, %dma_wait3A_240] : memref<16384x512xf32, #tpu.memory_space<hbm>> -> memref<32x512xf32, #tpu.memory_space<hbm>>
    %dma_wait3A_242 = arith.constant 0 : i32
    %dma_wait3A_243 = arith.constant 0 : i32
    %dma_wait3A_244 = tpu.memref_slice %arg6[%dma_wait3A_230, %dma_wait3A_242, %dma_wait3A_243] : memref<6x32x512xf32, #tpu.memory_space<vmem>> -> memref<1x32x512xf32, #tpu.memory_space<vmem>>
    %dma_wait3A_245 = tpu.memref_squeeze %dma_wait3A_244 : memref<1x32x512xf32, #tpu.memory_space<vmem>> -> memref<32x512xf32, #tpu.memory_space<vmem>>
    tpu.wait_dma2 semaphore(%dma_wait3A_239 : memref<!tpu.dma_semaphore, #tpu.memory_space<semaphore_mem>>) src(%dma_wait3A_245 : memref<32x512xf32, #tpu.memory_space<vmem>>) dst(%dma_wait3A_241 : memref<32x512xf32, #tpu.memory_space<hbm>>)
    %dma_start3A_246 = arith.constant 2 : i32
    %dma_start3A_247 = arith.constant 2 : i32
    %dma_start3A_248 = arith.constant 0 : i32
    %dma_start3A_249 = arith.constant 0 : i32
    %dma_start3A_250 = tpu.memref_slice %arg6[%dma_start3A_246, %dma_start3A_248, %dma_start3A_249] : memref<6x32x512xf32, #tpu.memory_space<vmem>> -> memref<1x32x512xf32, #tpu.memory_space<vmem>>
    %dma_start3A_251 = tpu.memref_squeeze %dma_start3A_250 : memref<1x32x512xf32, #tpu.memory_space<vmem>> -> memref<32x512xf32, #tpu.memory_space<vmem>>
    %dma_start3A_252 = arith.constant 256 : i32
    %dma_start3A_253 = tpu.memref_slice %arg5[%dma_start3A_252] : memref<512xi32, #tpu.memory_space<vmem>> -> memref<32xi32, #tpu.memory_space<vmem>>
    %dma_start3A_254 = arith.constant 0 : i32
    %dma_start3A_255 = arith.constant 0 : i32
    %dma_start3A_256 = tpu.memref_slice %arg2[%dma_start3A_254, %dma_start3A_255] : memref<10000x512xf32, #tpu.memory_space<hbm>> -> memref<10000x512xf32, #tpu.memory_space<hbm>>
    %dma_start3A_257 = tpu.memref_slice %arg7[%dma_start3A_247] : memref<6x!tpu.dma_semaphore, #tpu.memory_space<semaphore_mem>> -> memref<1x!tpu.dma_semaphore, #tpu.memory_space<semaphore_mem>>
    %dma_start3A_258 = tpu.memref_squeeze %dma_start3A_257 : memref<1x!tpu.dma_semaphore, #tpu.memory_space<semaphore_mem>> -> memref<!tpu.dma_semaphore, #tpu.memory_space<semaphore_mem>>
    tpu.enqueue_indirect_dma source(%dma_start3A_256 : memref<10000x512xf32, #tpu.memory_space<hbm>>) target(%dma_start3A_251 : memref<32x512xf32, #tpu.memory_space<vmem>>) offsets(%dma_start3A_253 : memref<32xi32, #tpu.memory_space<vmem>>) semaphore(%dma_start3A_258 : memref<!tpu.dma_semaphore, #tpu.memory_space<semaphore_mem>>)
    %dma_wait3A_259 = arith.constant 3 : i32
    %dma_wait3A_260 = arith.constant 3 : i32
    %dma_wait3A_261 = arith.constant 0 : i32
    %dma_wait3A_262 = arith.constant 0 : i32
    %dma_wait3A_263 = tpu.memref_slice %arg6[%dma_wait3A_259, %dma_wait3A_261, %dma_wait3A_262] : memref<6x32x512xf32, #tpu.memory_space<vmem>> -> memref<1x32x512xf32, #tpu.memory_space<vmem>>
    %dma_wait3A_264 = tpu.memref_squeeze %dma_wait3A_263 : memref<1x32x512xf32, #tpu.memory_space<vmem>> -> memref<32x512xf32, #tpu.memory_space<vmem>>
    %dma_wait3A_265 = arith.constant 96 : i32
    %dma_wait3A_266 = tpu.memref_slice %arg5[%dma_wait3A_265] : memref<512xi32, #tpu.memory_space<vmem>> -> memref<32xi32, #tpu.memory_space<vmem>>
    %dma_wait3A_267 = arith.constant 0 : i32
    %dma_wait3A_268 = arith.constant 0 : i32
    %dma_wait3A_269 = tpu.memref_slice %arg2[%dma_wait3A_267, %dma_wait3A_268] : memref<10000x512xf32, #tpu.memory_space<hbm>> -> memref<10000x512xf32, #tpu.memory_space<hbm>>
    %dma_wait3A_270 = tpu.memref_slice %arg7[%dma_wait3A_260] : memref<6x!tpu.dma_semaphore, #tpu.memory_space<semaphore_mem>> -> memref<1x!tpu.dma_semaphore, #tpu.memory_space<semaphore_mem>>
    %dma_wait3A_271 = tpu.memref_squeeze %dma_wait3A_270 : memref<1x!tpu.dma_semaphore, #tpu.memory_space<semaphore_mem>> -> memref<!tpu.dma_semaphore, #tpu.memory_space<semaphore_mem>>
    tpu.wait_indirect_dma semaphore(%dma_wait3A_271 : memref<!tpu.dma_semaphore, #tpu.memory_space<semaphore_mem>>) src(%dma_wait3A_269 : memref<10000x512xf32, #tpu.memory_space<hbm>>) dst(%dma_wait3A_264 : memref<32x512xf32, #tpu.memory_space<vmem>>)
    %add3A_272 = arith.constant 96 : i32
    %add3A_273 = arith.addi %mul3A_2, %add3A_272 : i32
    %dma_start3A_274 = arith.constant 3 : i32
    %dma_start3A_275 = arith.constant 3 : i32
    %dma_start3A_276 = arith.constant 0 : i32
    %dma_start3A_277 = arith.constant 0 : i32
    %dma_start3A_278 = tpu.memref_slice %arg6[%dma_start3A_274, %dma_start3A_276, %dma_start3A_277] : memref<6x32x512xf32, #tpu.memory_space<vmem>> -> memref<1x32x512xf32, #tpu.memory_space<vmem>>
    %dma_start3A_279 = tpu.memref_squeeze %dma_start3A_278 : memref<1x32x512xf32, #tpu.memory_space<vmem>> -> memref<32x512xf32, #tpu.memory_space<vmem>>
    %dma_start3A_280 = arith.constant 0 : i32
    %dma_start3A_281 = tpu.memref_slice %arg4[%add3A_273, %dma_start3A_280] : memref<16384x512xf32, #tpu.memory_space<hbm>> -> memref<32x512xf32, #tpu.memory_space<hbm>>
    %dma_start3A_282 = tpu.memref_slice %arg8[%dma_start3A_275] : memref<6x!tpu.dma_semaphore, #tpu.memory_space<semaphore_mem>> -> memref<1x!tpu.dma_semaphore, #tpu.memory_space<semaphore_mem>>
    %dma_start3A_283 = tpu.memref_squeeze %dma_start3A_282 : memref<1x!tpu.dma_semaphore, #tpu.memory_space<semaphore_mem>> -> memref<!tpu.dma_semaphore, #tpu.memory_space<semaphore_mem>>
    %dma_start3A_284 = arith.constant 0 : i32
    %dma_start3A_285 = tpu.memref_slice %arg4[%add3A_273, %dma_start3A_284] : memref<16384x512xf32, #tpu.memory_space<hbm>> -> memref<32x512xf32, #tpu.memory_space<hbm>>
    %dma_start3A_286 = arith.constant 0 : i32
    %dma_start3A_287 = arith.constant 0 : i32
    %dma_start3A_288 = tpu.memref_slice %arg6[%dma_start3A_274, %dma_start3A_286, %dma_start3A_287] : memref<6x32x512xf32, #tpu.memory_space<vmem>> -> memref<1x32x512xf32, #tpu.memory_space<vmem>>
    %dma_start3A_289 = tpu.memref_squeeze %dma_start3A_288 : memref<1x32x512xf32, #tpu.memory_space<vmem>> -> memref<32x512xf32, #tpu.memory_space<vmem>>
    tpu.enqueue_dma source(%dma_start3A_289 : memref<32x512xf32, #tpu.memory_space<vmem>>) target(%dma_start3A_285 : memref<32x512xf32, #tpu.memory_space<hbm>>) target_semaphore(%dma_start3A_283 : memref<!tpu.dma_semaphore, #tpu.memory_space<semaphore_mem>>)
    %dma_wait3A_290 = arith.constant 3 : i32
    %dma_wait3A_291 = arith.constant 3 : i32
    %dma_wait3A_292 = arith.constant 0 : i32
    %dma_wait3A_293 = arith.constant 0 : i32
    %dma_wait3A_294 = tpu.memref_slice %arg6[%dma_wait3A_290, %dma_wait3A_292, %dma_wait3A_293] : memref<6x32x512xf32, #tpu.memory_space<vmem>> -> memref<1x32x512xf32, #tpu.memory_space<vmem>>
    %dma_wait3A_295 = tpu.memref_squeeze %dma_wait3A_294 : memref<1x32x512xf32, #tpu.memory_space<vmem>> -> memref<32x512xf32, #tpu.memory_space<vmem>>
    %dma_wait3A_296 = arith.constant 0 : i32
    %dma_wait3A_297 = tpu.memref_slice %arg4[%add3A_273, %dma_wait3A_296] : memref<16384x512xf32, #tpu.memory_space<hbm>> -> memref<32x512xf32, #tpu.memory_space<hbm>>
    %dma_wait3A_298 = tpu.memref_slice %arg8[%dma_wait3A_291] : memref<6x!tpu.dma_semaphore, #tpu.memory_space<semaphore_mem>> -> memref<1x!tpu.dma_semaphore, #tpu.memory_space<semaphore_mem>>
    %dma_wait3A_299 = tpu.memref_squeeze %dma_wait3A_298 : memref<1x!tpu.dma_semaphore, #tpu.memory_space<semaphore_mem>> -> memref<!tpu.dma_semaphore, #tpu.memory_space<semaphore_mem>>
    %dma_wait3A_300 = arith.constant 0 : i32
    %dma_wait3A_301 = tpu.memref_slice %arg4[%add3A_273, %dma_wait3A_300] : memref<16384x512xf32, #tpu.memory_space<hbm>> -> memref<32x512xf32, #tpu.memory_space<hbm>>
    %dma_wait3A_302 = arith.constant 0 : i32
    %dma_wait3A_303 = arith.constant 0 : i32
    %dma_wait3A_304 = tpu.memref_slice %arg6[%dma_wait3A_290, %dma_wait3A_302, %dma_wait3A_303] : memref<6x32x512xf32, #tpu.memory_space<vmem>> -> memref<1x32x512xf32, #tpu.memory_space<vmem>>
    %dma_wait3A_305 = tpu.memref_squeeze %dma_wait3A_304 : memref<1x32x512xf32, #tpu.memory_space<vmem>> -> memref<32x512xf32, #tpu.memory_space<vmem>>
    tpu.wait_dma2 semaphore(%dma_wait3A_299 : memref<!tpu.dma_semaphore, #tpu.memory_space<semaphore_mem>>) src(%dma_wait3A_305 : memref<32x512xf32, #tpu.memory_space<vmem>>) dst(%dma_wait3A_301 : memref<32x512xf32, #tpu.memory_space<hbm>>)
    %dma_start3A_306 = arith.constant 3 : i32
    %dma_start3A_307 = arith.constant 3 : i32
    %dma_start3A_308 = arith.constant 0 : i32
    %dma_start3A_309 = arith.constant 0 : i32
    %dma_start3A_310 = tpu.memref_slice %arg6[%dma_start3A_306, %dma_start3A_308, %dma_start3A_309] : memref<6x32x512xf32, #tpu.memory_space<vmem>> -> memref<1x32x512xf32, #tpu.memory_space<vmem>>
    %dma_start3A_311 = tpu.memref_squeeze %dma_start3A_310 : memref<1x32x512xf32, #tpu.memory_space<vmem>> -> memref<32x512xf32, #tpu.memory_space<vmem>>
    %dma_start3A_312 = arith.constant 288 : i32
    %dma_start3A_313 = tpu.memref_slice %arg5[%dma_start3A_312] : memref<512xi32, #tpu.memory_space<vmem>> -> memref<32xi32, #tpu.memory_space<vmem>>
    %dma_start3A_314 = arith.constant 0 : i32
    %dma_start3A_315 = arith.constant 0 : i32
    %dma_start3A_316 = tpu.memref_slice %arg2[%dma_start3A_314, %dma_start3A_315] : memref<10000x512xf32, #tpu.memory_space<hbm>> -> memref<10000x512xf32, #tpu.memory_space<hbm>>
    %dma_start3A_317 = tpu.memref_slice %arg7[%dma_start3A_307] : memref<6x!tpu.dma_semaphore, #tpu.memory_space<semaphore_mem>> -> memref<1x!tpu.dma_semaphore, #tpu.memory_space<semaphore_mem>>
    %dma_start3A_318 = tpu.memref_squeeze %dma_start3A_317 : memref<1x!tpu.dma_semaphore, #tpu.memory_space<semaphore_mem>> -> memref<!tpu.dma_semaphore, #tpu.memory_space<semaphore_mem>>
    tpu.enqueue_indirect_dma source(%dma_start3A_316 : memref<10000x512xf32, #tpu.memory_space<hbm>>) target(%dma_start3A_311 : memref<32x512xf32, #tpu.memory_space<vmem>>) offsets(%dma_start3A_313 : memref<32xi32, #tpu.memory_space<vmem>>) semaphore(%dma_start3A_318 : memref<!tpu.dma_semaphore, #tpu.memory_space<semaphore_mem>>)
    %dma_wait3A_319 = arith.constant 4 : i32
    %dma_wait3A_320 = arith.constant 4 : i32
    %dma_wait3A_321 = arith.constant 0 : i32
    %dma_wait3A_322 = arith.constant 0 : i32
    %dma_wait3A_323 = tpu.memref_slice %arg6[%dma_wait3A_319, %dma_wait3A_321, %dma_wait3A_322] : memref<6x32x512xf32, #tpu.memory_space<vmem>> -> memref<1x32x512xf32, #tpu.memory_space<vmem>>
    %dma_wait3A_324 = tpu.memref_squeeze %dma_wait3A_323 : memref<1x32x512xf32, #tpu.memory_space<vmem>> -> memref<32x512xf32, #tpu.memory_space<vmem>>
    %dma_wait3A_325 = arith.constant 128 : i32
    %dma_wait3A_326 = tpu.memref_slice %arg5[%dma_wait3A_325] : memref<512xi32, #tpu.memory_space<vmem>> -> memref<32xi32, #tpu.memory_space<vmem>>
    %dma_wait3A_327 = arith.constant 0 : i32
    %dma_wait3A_328 = arith.constant 0 : i32
    %dma_wait3A_329 = tpu.memref_slice %arg2[%dma_wait3A_327, %dma_wait3A_328] : memref<10000x512xf32, #tpu.memory_space<hbm>> -> memref<10000x512xf32, #tpu.memory_space<hbm>>
    %dma_wait3A_330 = tpu.memref_slice %arg7[%dma_wait3A_320] : memref<6x!tpu.dma_semaphore, #tpu.memory_space<semaphore_mem>> -> memref<1x!tpu.dma_semaphore, #tpu.memory_space<semaphore_mem>>
    %dma_wait3A_331 = tpu.memref_squeeze %dma_wait3A_330 : memref<1x!tpu.dma_semaphore, #tpu.memory_space<semaphore_mem>> -> memref<!tpu.dma_semaphore, #tpu.memory_space<semaphore_mem>>
    tpu.wait_indirect_dma semaphore(%dma_wait3A_331 : memref<!tpu.dma_semaphore, #tpu.memory_space<semaphore_mem>>) src(%dma_wait3A_329 : memref<10000x512xf32, #tpu.memory_space<hbm>>) dst(%dma_wait3A_324 : memref<32x512xf32, #tpu.memory_space<vmem>>)
    %add3A_332 = arith.constant 128 : i32
    %add3A_333 = arith.addi %mul3A_2, %add3A_332 : i32
    %dma_start3A_334 = arith.constant 4 : i32
    %dma_start3A_335 = arith.constant 4 : i32
    %dma_start3A_336 = arith.constant 0 : i32
    %dma_start3A_337 = arith.constant 0 : i32
    %dma_start3A_338 = tpu.memref_slice %arg6[%dma_start3A_334, %dma_start3A_336, %dma_start3A_337] : memref<6x32x512xf32, #tpu.memory_space<vmem>> -> memref<1x32x512xf32, #tpu.memory_space<vmem>>
    %dma_start3A_339 = tpu.memref_squeeze %dma_start3A_338 : memref<1x32x512xf32, #tpu.memory_space<vmem>> -> memref<32x512xf32, #tpu.memory_space<vmem>>
    %dma_start3A_340 = arith.constant 0 : i32
    %dma_start3A_341 = tpu.memref_slice %arg4[%add3A_333, %dma_start3A_340] : memref<16384x512xf32, #tpu.memory_space<hbm>> -> memref<32x512xf32, #tpu.memory_space<hbm>>
    %dma_start3A_342 = tpu.memref_slice %arg8[%dma_start3A_335] : memref<6x!tpu.dma_semaphore, #tpu.memory_space<semaphore_mem>> -> memref<1x!tpu.dma_semaphore, #tpu.memory_space<semaphore_mem>>
    %dma_start3A_343 = tpu.memref_squeeze %dma_start3A_342 : memref<1x!tpu.dma_semaphore, #tpu.memory_space<semaphore_mem>> -> memref<!tpu.dma_semaphore, #tpu.memory_space<semaphore_mem>>
    %dma_start3A_344 = arith.constant 0 : i32
    %dma_start3A_345 = tpu.memref_slice %arg4[%add3A_333, %dma_start3A_344] : memref<16384x512xf32, #tpu.memory_space<hbm>> -> memref<32x512xf32, #tpu.memory_space<hbm>>
    %dma_start3A_346 = arith.constant 0 : i32
    %dma_start3A_347 = arith.constant 0 : i32
    %dma_start3A_348 = tpu.memref_slice %arg6[%dma_start3A_334, %dma_start3A_346, %dma_start3A_347] : memref<6x32x512xf32, #tpu.memory_space<vmem>> -> memref<1x32x512xf32, #tpu.memory_space<vmem>>
    %dma_start3A_349 = tpu.memref_squeeze %dma_start3A_348 : memref<1x32x512xf32, #tpu.memory_space<vmem>> -> memref<32x512xf32, #tpu.memory_space<vmem>>
    tpu.enqueue_dma source(%dma_start3A_349 : memref<32x512xf32, #tpu.memory_space<vmem>>) target(%dma_start3A_345 : memref<32x512xf32, #tpu.memory_space<hbm>>) target_semaphore(%dma_start3A_343 : memref<!tpu.dma_semaphore, #tpu.memory_space<semaphore_mem>>)
    %dma_wait3A_350 = arith.constant 4 : i32
    %dma_wait3A_351 = arith.constant 4 : i32
    %dma_wait3A_352 = arith.constant 0 : i32
    %dma_wait3A_353 = arith.constant 0 : i32
    %dma_wait3A_354 = tpu.memref_slice %arg6[%dma_wait3A_350, %dma_wait3A_352, %dma_wait3A_353] : memref<6x32x512xf32, #tpu.memory_space<vmem>> -> memref<1x32x512xf32, #tpu.memory_space<vmem>>
    %dma_wait3A_355 = tpu.memref_squeeze %dma_wait3A_354 : memref<1x32x512xf32, #tpu.memory_space<vmem>> -> memref<32x512xf32, #tpu.memory_space<vmem>>
    %dma_wait3A_356 = arith.constant 0 : i32
    %dma_wait3A_357 = tpu.memref_slice %arg4[%add3A_333, %dma_wait3A_356] : memref<16384x512xf32, #tpu.memory_space<hbm>> -> memref<32x512xf32, #tpu.memory_space<hbm>>
    %dma_wait3A_358 = tpu.memref_slice %arg8[%dma_wait3A_351] : memref<6x!tpu.dma_semaphore, #tpu.memory_space<semaphore_mem>> -> memref<1x!tpu.dma_semaphore, #tpu.memory_space<semaphore_mem>>
    %dma_wait3A_359 = tpu.memref_squeeze %dma_wait3A_358 : memref<1x!tpu.dma_semaphore, #tpu.memory_space<semaphore_mem>> -> memref<!tpu.dma_semaphore, #tpu.memory_space<semaphore_mem>>
    %dma_wait3A_360 = arith.constant 0 : i32
    %dma_wait3A_361 = tpu.memref_slice %arg4[%add3A_333, %dma_wait3A_360] : memref<16384x512xf32, #tpu.memory_space<hbm>> -> memref<32x512xf32, #tpu.memory_space<hbm>>
    %dma_wait3A_362 = arith.constant 0 : i32
    %dma_wait3A_363 = arith.constant 0 : i32
    %dma_wait3A_364 = tpu.memref_slice %arg6[%dma_wait3A_350, %dma_wait3A_362, %dma_wait3A_363] : memref<6x32x512xf32, #tpu.memory_space<vmem>> -> memref<1x32x512xf32, #tpu.memory_space<vmem>>
    %dma_wait3A_365 = tpu.memref_squeeze %dma_wait3A_364 : memref<1x32x512xf32, #tpu.memory_space<vmem>> -> memref<32x512xf32, #tpu.memory_space<vmem>>
    tpu.wait_dma2 semaphore(%dma_wait3A_359 : memref<!tpu.dma_semaphore, #tpu.memory_space<semaphore_mem>>) src(%dma_wait3A_365 : memref<32x512xf32, #tpu.memory_space<vmem>>) dst(%dma_wait3A_361 : memref<32x512xf32, #tpu.memory_space<hbm>>)
    %dma_start3A_366 = arith.constant 4 : i32
    %dma_start3A_367 = arith.constant 4 : i32
    %dma_start3A_368 = arith.constant 0 : i32
    %dma_start3A_369 = arith.constant 0 : i32
    %dma_start3A_370 = tpu.memref_slice %arg6[%dma_start3A_366, %dma_start3A_368, %dma_start3A_369] : memref<6x32x512xf32, #tpu.memory_space<vmem>> -> memref<1x32x512xf32, #tpu.memory_space<vmem>>
    %dma_start3A_371 = tpu.memref_squeeze %dma_start3A_370 : memref<1x32x512xf32, #tpu.memory_space<vmem>> -> memref<32x512xf32, #tpu.memory_space<vmem>>
    %dma_start3A_372 = arith.constant 320 : i32
    %dma_start3A_373 = tpu.memref_slice %arg5[%dma_start3A_372] : memref<512xi32, #tpu.memory_space<vmem>> -> memref<32xi32, #tpu.memory_space<vmem>>
    %dma_start3A_374 = arith.constant 0 : i32
    %dma_start3A_375 = arith.constant 0 : i32
    %dma_start3A_376 = tpu.memref_slice %arg2[%dma_start3A_374, %dma_start3A_375] : memref<10000x512xf32, #tpu.memory_space<hbm>> -> memref<10000x512xf32, #tpu.memory_space<hbm>>
    %dma_start3A_377 = tpu.memref_slice %arg7[%dma_start3A_367] : memref<6x!tpu.dma_semaphore, #tpu.memory_space<semaphore_mem>> -> memref<1x!tpu.dma_semaphore, #tpu.memory_space<semaphore_mem>>
    %dma_start3A_378 = tpu.memref_squeeze %dma_start3A_377 : memref<1x!tpu.dma_semaphore, #tpu.memory_space<semaphore_mem>> -> memref<!tpu.dma_semaphore, #tpu.memory_space<semaphore_mem>>
    tpu.enqueue_indirect_dma source(%dma_start3A_376 : memref<10000x512xf32, #tpu.memory_space<hbm>>) target(%dma_start3A_371 : memref<32x512xf32, #tpu.memory_space<vmem>>) offsets(%dma_start3A_373 : memref<32xi32, #tpu.memory_space<vmem>>) semaphore(%dma_start3A_378 : memref<!tpu.dma_semaphore, #tpu.memory_space<semaphore_mem>>)
    %dma_wait3A_379 = arith.constant 5 : i32
    %dma_wait3A_380 = arith.constant 5 : i32
    %dma_wait3A_381 = arith.constant 0 : i32
    %dma_wait3A_382 = arith.constant 0 : i32
    %dma_wait3A_383 = tpu.memref_slice %arg6[%dma_wait3A_379, %dma_wait3A_381, %dma_wait3A_382] : memref<6x32x512xf32, #tpu.memory_space<vmem>> -> memref<1x32x512xf32, #tpu.memory_space<vmem>>
    %dma_wait3A_384 = tpu.memref_squeeze %dma_wait3A_383 : memref<1x32x512xf32, #tpu.memory_space<vmem>> -> memref<32x512xf32, #tpu.memory_space<vmem>>
    %dma_wait3A_385 = arith.constant 160 : i32
    %dma_wait3A_386 = tpu.memref_slice %arg5[%dma_wait3A_385] : memref<512xi32, #tpu.memory_space<vmem>> -> memref<32xi32, #tpu.memory_space<vmem>>
    %dma_wait3A_387 = arith.constant 0 : i32
    %dma_wait3A_388 = arith.constant 0 : i32
    %dma_wait3A_389 = tpu.memref_slice %arg2[%dma_wait3A_387, %dma_wait3A_388] : memref<10000x512xf32, #tpu.memory_space<hbm>> -> memref<10000x512xf32, #tpu.memory_space<hbm>>
    %dma_wait3A_390 = tpu.memref_slice %arg7[%dma_wait3A_380] : memref<6x!tpu.dma_semaphore, #tpu.memory_space<semaphore_mem>> -> memref<1x!tpu.dma_semaphore, #tpu.memory_space<semaphore_mem>>
    %dma_wait3A_391 = tpu.memref_squeeze %dma_wait3A_390 : memref<1x!tpu.dma_semaphore, #tpu.memory_space<semaphore_mem>> -> memref<!tpu.dma_semaphore, #tpu.memory_space<semaphore_mem>>
    tpu.wait_indirect_dma semaphore(%dma_wait3A_391 : memref<!tpu.dma_semaphore, #tpu.memory_space<semaphore_mem>>) src(%dma_wait3A_389 : memref<10000x512xf32, #tpu.memory_space<hbm>>) dst(%dma_wait3A_384 : memref<32x512xf32, #tpu.memory_space<vmem>>)
    %add3A_392 = arith.constant 160 : i32
    %add3A_393 = arith.addi %mul3A_2, %add3A_392 : i32
    %dma_start3A_394 = arith.constant 5 : i32
    %dma_start3A_395 = arith.constant 5 : i32
    %dma_start3A_396 = arith.constant 0 : i32
    %dma_start3A_397 = arith.constant 0 : i32
    %dma_start3A_398 = tpu.memref_slice %arg6[%dma_start3A_394, %dma_start3A_396, %dma_start3A_397] : memref<6x32x512xf32, #tpu.memory_space<vmem>> -> memref<1x32x512xf32, #tpu.memory_space<vmem>>
    %dma_start3A_399 = tpu.memref_squeeze %dma_start3A_398 : memref<1x32x512xf32, #tpu.memory_space<vmem>> -> memref<32x512xf32, #tpu.memory_space<vmem>>
    %dma_start3A_400 = arith.constant 0 : i32
    %dma_start3A_401 = tpu.memref_slice %arg4[%add3A_393, %dma_start3A_400] : memref<16384x512xf32, #tpu.memory_space<hbm>> -> memref<32x512xf32, #tpu.memory_space<hbm>>
    %dma_start3A_402 = tpu.memref_slice %arg8[%dma_start3A_395] : memref<6x!tpu.dma_semaphore, #tpu.memory_space<semaphore_mem>> -> memref<1x!tpu.dma_semaphore, #tpu.memory_space<semaphore_mem>>
    %dma_start3A_403 = tpu.memref_squeeze %dma_start3A_402 : memref<1x!tpu.dma_semaphore, #tpu.memory_space<semaphore_mem>> -> memref<!tpu.dma_semaphore, #tpu.memory_space<semaphore_mem>>
    %dma_start3A_404 = arith.constant 0 : i32
    %dma_start3A_405 = tpu.memref_slice %arg4[%add3A_393, %dma_start3A_404] : memref<16384x512xf32, #tpu.memory_space<hbm>> -> memref<32x512xf32, #tpu.memory_space<hbm>>
    %dma_start3A_406 = arith.constant 0 : i32
    %dma_start3A_407 = arith.constant 0 : i32
    %dma_start3A_408 = tpu.memref_slice %arg6[%dma_start3A_394, %dma_start3A_406, %dma_start3A_407] : memref<6x32x512xf32, #tpu.memory_space<vmem>> -> memref<1x32x512xf32, #tpu.memory_space<vmem>>
    %dma_start3A_409 = tpu.memref_squeeze %dma_start3A_408 : memref<1x32x512xf32, #tpu.memory_space<vmem>> -> memref<32x512xf32, #tpu.memory_space<vmem>>
    tpu.enqueue_dma source(%dma_start3A_409 : memref<32x512xf32, #tpu.memory_space<vmem>>) target(%dma_start3A_405 : memref<32x512xf32, #tpu.memory_space<hbm>>) target_semaphore(%dma_start3A_403 : memref<!tpu.dma_semaphore, #tpu.memory_space<semaphore_mem>>)
    %dma_wait3A_410 = arith.constant 5 : i32
    %dma_wait3A_411 = arith.constant 5 : i32
    %dma_wait3A_412 = arith.constant 0 : i32
    %dma_wait3A_413 = arith.constant 0 : i32
    %dma_wait3A_414 = tpu.memref_slice %arg6[%dma_wait3A_410, %dma_wait3A_412, %dma_wait3A_413] : memref<6x32x512xf32, #tpu.memory_space<vmem>> -> memref<1x32x512xf32, #tpu.memory_space<vmem>>
    %dma_wait3A_415 = tpu.memref_squeeze %dma_wait3A_414 : memref<1x32x512xf32, #tpu.memory_space<vmem>> -> memref<32x512xf32, #tpu.memory_space<vmem>>
    %dma_wait3A_416 = arith.constant 0 : i32
    %dma_wait3A_417 = tpu.memref_slice %arg4[%add3A_393, %dma_wait3A_416] : memref<16384x512xf32, #tpu.memory_space<hbm>> -> memref<32x512xf32, #tpu.memory_space<hbm>>
    %dma_wait3A_418 = tpu.memref_slice %arg8[%dma_wait3A_411] : memref<6x!tpu.dma_semaphore, #tpu.memory_space<semaphore_mem>> -> memref<1x!tpu.dma_semaphore, #tpu.memory_space<semaphore_mem>>
    %dma_wait3A_419 = tpu.memref_squeeze %dma_wait3A_418 : memref<1x!tpu.dma_semaphore, #tpu.memory_space<semaphore_mem>> -> memref<!tpu.dma_semaphore, #tpu.memory_space<semaphore_mem>>
    %dma_wait3A_420 = arith.constant 0 : i32
    %dma_wait3A_421 = tpu.memref_slice %arg4[%add3A_393, %dma_wait3A_420] : memref<16384x512xf32, #tpu.memory_space<hbm>> -> memref<32x512xf32, #tpu.memory_space<hbm>>
    %dma_wait3A_422 = arith.constant 0 : i32
    %dma_wait3A_423 = arith.constant 0 : i32
    %dma_wait3A_424 = tpu.memref_slice %arg6[%dma_wait3A_410, %dma_wait3A_422, %dma_wait3A_423] : memref<6x32x512xf32, #tpu.memory_space<vmem>> -> memref<1x32x512xf32, #tpu.memory_space<vmem>>
    %dma_wait3A_425 = tpu.memref_squeeze %dma_wait3A_424 : memref<1x32x512xf32, #tpu.memory_space<vmem>> -> memref<32x512xf32, #tpu.memory_space<vmem>>
    tpu.wait_dma2 semaphore(%dma_wait3A_419 : memref<!tpu.dma_semaphore, #tpu.memory_space<semaphore_mem>>) src(%dma_wait3A_425 : memref<32x512xf32, #tpu.memory_space<vmem>>) dst(%dma_wait3A_421 : memref<32x512xf32, #tpu.memory_space<hbm>>)
    %dma_start3A_426 = arith.constant 5 : i32
    %dma_start3A_427 = arith.constant 5 : i32
    %dma_start3A_428 = arith.constant 0 : i32
    %dma_start3A_429 = arith.constant 0 : i32
    %dma_start3A_430 = tpu.memref_slice %arg6[%dma_start3A_426, %dma_start3A_428, %dma_start3A_429] : memref<6x32x512xf32, #tpu.memory_space<vmem>> -> memref<1x32x512xf32, #tpu.memory_space<vmem>>
    %dma_start3A_431 = tpu.memref_squeeze %dma_start3A_430 : memref<1x32x512xf32, #tpu.memory_space<vmem>> -> memref<32x512xf32, #tpu.memory_space<vmem>>
    %dma_start3A_432 = arith.constant 352 : i32
    %dma_start3A_433 = tpu.memref_slice %arg5[%dma_start3A_432] : memref<512xi32, #tpu.memory_space<vmem>> -> memref<32xi32, #tpu.memory_space<vmem>>
    %dma_start3A_434 = arith.constant 0 : i32
    %dma_start3A_435 = arith.constant 0 : i32
    %dma_start3A_436 = tpu.memref_slice %arg2[%dma_start3A_434, %dma_start3A_435] : memref<10000x512xf32, #tpu.memory_space<hbm>> -> memref<10000x512xf32, #tpu.memory_space<hbm>>
    %dma_start3A_437 = tpu.memref_slice %arg7[%dma_start3A_427] : memref<6x!tpu.dma_semaphore, #tpu.memory_space<semaphore_mem>> -> memref<1x!tpu.dma_semaphore, #tpu.memory_space<semaphore_mem>>
    %dma_start3A_438 = tpu.memref_squeeze %dma_start3A_437 : memref<1x!tpu.dma_semaphore, #tpu.memory_space<semaphore_mem>> -> memref<!tpu.dma_semaphore, #tpu.memory_space<semaphore_mem>>
    tpu.enqueue_indirect_dma source(%dma_start3A_436 : memref<10000x512xf32, #tpu.memory_space<hbm>>) target(%dma_start3A_431 : memref<32x512xf32, #tpu.memory_space<vmem>>) offsets(%dma_start3A_433 : memref<32xi32, #tpu.memory_space<vmem>>) semaphore(%dma_start3A_438 : memref<!tpu.dma_semaphore, #tpu.memory_space<semaphore_mem>>)
    %dma_wait3A_439 = arith.constant 0 : i32
    %dma_wait3A_440 = arith.constant 0 : i32
    %dma_wait3A_441 = arith.constant 0 : i32
    %dma_wait3A_442 = arith.constant 0 : i32
    %dma_wait3A_443 = tpu.memref_slice %arg6[%dma_wait3A_439, %dma_wait3A_441, %dma_wait3A_442] : memref<6x32x512xf32, #tpu.memory_space<vmem>> -> memref<1x32x512xf32, #tpu.memory_space<vmem>>
    %dma_wait3A_444 = tpu.memref_squeeze %dma_wait3A_443 : memref<1x32x512xf32, #tpu.memory_space<vmem>> -> memref<32x512xf32, #tpu.memory_space<vmem>>
    %dma_wait3A_445 = arith.constant 192 : i32
    %dma_wait3A_446 = tpu.memref_slice %arg5[%dma_wait3A_445] : memref<512xi32, #tpu.memory_space<vmem>> -> memref<32xi32, #tpu.memory_space<vmem>>
    %dma_wait3A_447 = arith.constant 0 : i32
    %dma_wait3A_448 = arith.constant 0 : i32
    %dma_wait3A_449 = tpu.memref_slice %arg2[%dma_wait3A_447, %dma_wait3A_448] : memref<10000x512xf32, #tpu.memory_space<hbm>> -> memref<10000x512xf32, #tpu.memory_space<hbm>>
    %dma_wait3A_450 = tpu.memref_slice %arg7[%dma_wait3A_440] : memref<6x!tpu.dma_semaphore, #tpu.memory_space<semaphore_mem>> -> memref<1x!tpu.dma_semaphore, #tpu.memory_space<semaphore_mem>>
    %dma_wait3A_451 = tpu.memref_squeeze %dma_wait3A_450 : memref<1x!tpu.dma_semaphore, #tpu.memory_space<semaphore_mem>> -> memref<!tpu.dma_semaphore, #tpu.memory_space<semaphore_mem>>
    tpu.wait_indirect_dma semaphore(%dma_wait3A_451 : memref<!tpu.dma_semaphore, #tpu.memory_space<semaphore_mem>>) src(%dma_wait3A_449 : memref<10000x512xf32, #tpu.memory_space<hbm>>) dst(%dma_wait3A_444 : memref<32x512xf32, #tpu.memory_space<vmem>>)
    %add3A_452 = arith.constant 192 : i32
    %add3A_453 = arith.addi %mul3A_2, %add3A_452 : i32
    %dma_start3A_454 = arith.constant 0 : i32
    %dma_start3A_455 = arith.constant 0 : i32
    %dma_start3A_456 = arith.constant 0 : i32
    %dma_start3A_457 = arith.constant 0 : i32
    %dma_start3A_458 = tpu.memref_slice %arg6[%dma_start3A_454, %dma_start3A_456, %dma_start3A_457] : memref<6x32x512xf32, #tpu.memory_space<vmem>> -> memref<1x32x512xf32, #tpu.memory_space<vmem>>
    %dma_start3A_459 = tpu.memref_squeeze %dma_start3A_458 : memref<1x32x512xf32, #tpu.memory_space<vmem>> -> memref<32x512xf32, #tpu.memory_space<vmem>>
    %dma_start3A_460 = arith.constant 0 : i32
    %dma_start3A_461 = tpu.memref_slice %arg4[%add3A_453, %dma_start3A_460] : memref<16384x512xf32, #tpu.memory_space<hbm>> -> memref<32x512xf32, #tpu.memory_space<hbm>>
    %dma_start3A_462 = tpu.memref_slice %arg8[%dma_start3A_455] : memref<6x!tpu.dma_semaphore, #tpu.memory_space<semaphore_mem>> -> memref<1x!tpu.dma_semaphore, #tpu.memory_space<semaphore_mem>>
    %dma_start3A_463 = tpu.memref_squeeze %dma_start3A_462 : memref<1x!tpu.dma_semaphore, #tpu.memory_space<semaphore_mem>> -> memref<!tpu.dma_semaphore, #tpu.memory_space<semaphore_mem>>
    %dma_start3A_464 = arith.constant 0 : i32
    %dma_start3A_465 = tpu.memref_slice %arg4[%add3A_453, %dma_start3A_464] : memref<16384x512xf32, #tpu.memory_space<hbm>> -> memref<32x512xf32, #tpu.memory_space<hbm>>
    %dma_start3A_466 = arith.constant 0 : i32
    %dma_start3A_467 = arith.constant 0 : i32
    %dma_start3A_468 = tpu.memref_slice %arg6[%dma_start3A_454, %dma_start3A_466, %dma_start3A_467] : memref<6x32x512xf32, #tpu.memory_space<vmem>> -> memref<1x32x512xf32, #tpu.memory_space<vmem>>
    %dma_start3A_469 = tpu.memref_squeeze %dma_start3A_468 : memref<1x32x512xf32, #tpu.memory_space<vmem>> -> memref<32x512xf32, #tpu.memory_space<vmem>>
    tpu.enqueue_dma source(%dma_start3A_469 : memref<32x512xf32, #tpu.memory_space<vmem>>) target(%dma_start3A_465 : memref<32x512xf32, #tpu.memory_space<hbm>>) target_semaphore(%dma_start3A_463 : memref<!tpu.dma_semaphore, #tpu.memory_space<semaphore_mem>>)
    %dma_wait3A_470 = arith.constant 0 : i32
    %dma_wait3A_471 = arith.constant 0 : i32
    %dma_wait3A_472 = arith.constant 0 : i32
    %dma_wait3A_473 = arith.constant 0 : i32
    %dma_wait3A_474 = tpu.memref_slice %arg6[%dma_wait3A_470, %dma_wait3A_472, %dma_wait3A_473] : memref<6x32x512xf32, #tpu.memory_space<vmem>> -> memref<1x32x512xf32, #tpu.memory_space<vmem>>
    %dma_wait3A_475 = tpu.memref_squeeze %dma_wait3A_474 : memref<1x32x512xf32, #tpu.memory_space<vmem>> -> memref<32x512xf32, #tpu.memory_space<vmem>>
    %dma_wait3A_476 = arith.constant 0 : i32
    %dma_wait3A_477 = tpu.memref_slice %arg4[%add3A_453, %dma_wait3A_476] : memref<16384x512xf32, #tpu.memory_space<hbm>> -> memref<32x512xf32, #tpu.memory_space<hbm>>
    %dma_wait3A_478 = tpu.memref_slice %arg8[%dma_wait3A_471] : memref<6x!tpu.dma_semaphore, #tpu.memory_space<semaphore_mem>> -> memref<1x!tpu.dma_semaphore, #tpu.memory_space<semaphore_mem>>
    %dma_wait3A_479 = tpu.memref_squeeze %dma_wait3A_478 : memref<1x!tpu.dma_semaphore, #tpu.memory_space<semaphore_mem>> -> memref<!tpu.dma_semaphore, #tpu.memory_space<semaphore_mem>>
    %dma_wait3A_480 = arith.constant 0 : i32
    %dma_wait3A_481 = tpu.memref_slice %arg4[%add3A_453, %dma_wait3A_480] : memref<16384x512xf32, #tpu.memory_space<hbm>> -> memref<32x512xf32, #tpu.memory_space<hbm>>
    %dma_wait3A_482 = arith.constant 0 : i32
    %dma_wait3A_483 = arith.constant 0 : i32
    %dma_wait3A_484 = tpu.memref_slice %arg6[%dma_wait3A_470, %dma_wait3A_482, %dma_wait3A_483] : memref<6x32x512xf32, #tpu.memory_space<vmem>> -> memref<1x32x512xf32, #tpu.memory_space<vmem>>
    %dma_wait3A_485 = tpu.memref_squeeze %dma_wait3A_484 : memref<1x32x512xf32, #tpu.memory_space<vmem>> -> memref<32x512xf32, #tpu.memory_space<vmem>>
    tpu.wait_dma2 semaphore(%dma_wait3A_479 : memref<!tpu.dma_semaphore, #tpu.memory_space<semaphore_mem>>) src(%dma_wait3A_485 : memref<32x512xf32, #tpu.memory_space<vmem>>) dst(%dma_wait3A_481 : memref<32x512xf32, #tpu.memory_space<hbm>>)
    %dma_start3A_486 = arith.constant 0 : i32
    %dma_start3A_487 = arith.constant 0 : i32
    %dma_start3A_488 = arith.constant 0 : i32
    %dma_start3A_489 = arith.constant 0 : i32
    %dma_start3A_490 = tpu.memref_slice %arg6[%dma_start3A_486, %dma_start3A_488, %dma_start3A_489] : memref<6x32x512xf32, #tpu.memory_space<vmem>> -> memref<1x32x512xf32, #tpu.memory_space<vmem>>
    %dma_start3A_491 = tpu.memref_squeeze %dma_start3A_490 : memref<1x32x512xf32, #tpu.memory_space<vmem>> -> memref<32x512xf32, #tpu.memory_space<vmem>>
    %dma_start3A_492 = arith.constant 384 : i32
    %dma_start3A_493 = tpu.memref_slice %arg5[%dma_start3A_492] : memref<512xi32, #tpu.memory_space<vmem>> -> memref<32xi32, #tpu.memory_space<vmem>>
    %dma_start3A_494 = arith.constant 0 : i32
    %dma_start3A_495 = arith.constant 0 : i32
    %dma_start3A_496 = tpu.memref_slice %arg2[%dma_start3A_494, %dma_start3A_495] : memref<10000x512xf32, #tpu.memory_space<hbm>> -> memref<10000x512xf32, #tpu.memory_space<hbm>>
    %dma_start3A_497 = tpu.memref_slice %arg7[%dma_start3A_487] : memref<6x!tpu.dma_semaphore, #tpu.memory_space<semaphore_mem>> -> memref<1x!tpu.dma_semaphore, #tpu.memory_space<semaphore_mem>>
    %dma_start3A_498 = tpu.memref_squeeze %dma_start3A_497 : memref<1x!tpu.dma_semaphore, #tpu.memory_space<semaphore_mem>> -> memref<!tpu.dma_semaphore, #tpu.memory_space<semaphore_mem>>
    tpu.enqueue_indirect_dma source(%dma_start3A_496 : memref<10000x512xf32, #tpu.memory_space<hbm>>) target(%dma_start3A_491 : memref<32x512xf32, #tpu.memory_space<vmem>>) offsets(%dma_start3A_493 : memref<32xi32, #tpu.memory_space<vmem>>) semaphore(%dma_start3A_498 : memref<!tpu.dma_semaphore, #tpu.memory_space<semaphore_mem>>)
    %dma_wait3A_499 = arith.constant 1 : i32
    %dma_wait3A_500 = arith.constant 1 : i32
    %dma_wait3A_501 = arith.constant 0 : i32
    %dma_wait3A_502 = arith.constant 0 : i32
    %dma_wait3A_503 = tpu.memref_slice %arg6[%dma_wait3A_499, %dma_wait3A_501, %dma_wait3A_502] : memref<6x32x512xf32, #tpu.memory_space<vmem>> -> memref<1x32x512xf32, #tpu.memory_space<vmem>>
    %dma_wait3A_504 = tpu.memref_squeeze %dma_wait3A_503 : memref<1x32x512xf32, #tpu.memory_space<vmem>> -> memref<32x512xf32, #tpu.memory_space<vmem>>
    %dma_wait3A_505 = arith.constant 224 : i32
    %dma_wait3A_506 = tpu.memref_slice %arg5[%dma_wait3A_505] : memref<512xi32, #tpu.memory_space<vmem>> -> memref<32xi32, #tpu.memory_space<vmem>>
    %dma_wait3A_507 = arith.constant 0 : i32
    %dma_wait3A_508 = arith.constant 0 : i32
    %dma_wait3A_509 = tpu.memref_slice %arg2[%dma_wait3A_507, %dma_wait3A_508] : memref<10000x512xf32, #tpu.memory_space<hbm>> -> memref<10000x512xf32, #tpu.memory_space<hbm>>
    %dma_wait3A_510 = tpu.memref_slice %arg7[%dma_wait3A_500] : memref<6x!tpu.dma_semaphore, #tpu.memory_space<semaphore_mem>> -> memref<1x!tpu.dma_semaphore, #tpu.memory_space<semaphore_mem>>
    %dma_wait3A_511 = tpu.memref_squeeze %dma_wait3A_510 : memref<1x!tpu.dma_semaphore, #tpu.memory_space<semaphore_mem>> -> memref<!tpu.dma_semaphore, #tpu.memory_space<semaphore_mem>>
    tpu.wait_indirect_dma semaphore(%dma_wait3A_511 : memref<!tpu.dma_semaphore, #tpu.memory_space<semaphore_mem>>) src(%dma_wait3A_509 : memref<10000x512xf32, #tpu.memory_space<hbm>>) dst(%dma_wait3A_504 : memref<32x512xf32, #tpu.memory_space<vmem>>)
    %add3A_512 = arith.constant 224 : i32
    %add3A_513 = arith.addi %mul3A_2, %add3A_512 : i32
    %dma_start3A_514 = arith.constant 1 : i32
    %dma_start3A_515 = arith.constant 1 : i32
    %dma_start3A_516 = arith.constant 0 : i32
    %dma_start3A_517 = arith.constant 0 : i32
    %dma_start3A_518 = tpu.memref_slice %arg6[%dma_start3A_514, %dma_start3A_516, %dma_start3A_517] : memref<6x32x512xf32, #tpu.memory_space<vmem>> -> memref<1x32x512xf32, #tpu.memory_space<vmem>>
    %dma_start3A_519 = tpu.memref_squeeze %dma_start3A_518 : memref<1x32x512xf32, #tpu.memory_space<vmem>> -> memref<32x512xf32, #tpu.memory_space<vmem>>
    %dma_start3A_520 = arith.constant 0 : i32
    %dma_start3A_521 = tpu.memref_slice %arg4[%add3A_513, %dma_start3A_520] : memref<16384x512xf32, #tpu.memory_space<hbm>> -> memref<32x512xf32, #tpu.memory_space<hbm>>
    %dma_start3A_522 = tpu.memref_slice %arg8[%dma_start3A_515] : memref<6x!tpu.dma_semaphore, #tpu.memory_space<semaphore_mem>> -> memref<1x!tpu.dma_semaphore, #tpu.memory_space<semaphore_mem>>
    %dma_start3A_523 = tpu.memref_squeeze %dma_start3A_522 : memref<1x!tpu.dma_semaphore, #tpu.memory_space<semaphore_mem>> -> memref<!tpu.dma_semaphore, #tpu.memory_space<semaphore_mem>>
    %dma_start3A_524 = arith.constant 0 : i32
    %dma_start3A_525 = tpu.memref_slice %arg4[%add3A_513, %dma_start3A_524] : memref<16384x512xf32, #tpu.memory_space<hbm>> -> memref<32x512xf32, #tpu.memory_space<hbm>>
    %dma_start3A_526 = arith.constant 0 : i32
    %dma_start3A_527 = arith.constant 0 : i32
    %dma_start3A_528 = tpu.memref_slice %arg6[%dma_start3A_514, %dma_start3A_526, %dma_start3A_527] : memref<6x32x512xf32, #tpu.memory_space<vmem>> -> memref<1x32x512xf32, #tpu.memory_space<vmem>>
    %dma_start3A_529 = tpu.memref_squeeze %dma_start3A_528 : memref<1x32x512xf32, #tpu.memory_space<vmem>> -> memref<32x512xf32, #tpu.memory_space<vmem>>
    tpu.enqueue_dma source(%dma_start3A_529 : memref<32x512xf32, #tpu.memory_space<vmem>>) target(%dma_start3A_525 : memref<32x512xf32, #tpu.memory_space<hbm>>) target_semaphore(%dma_start3A_523 : memref<!tpu.dma_semaphore, #tpu.memory_space<semaphore_mem>>)
    %dma_wait3A_530 = arith.constant 1 : i32
    %dma_wait3A_531 = arith.constant 1 : i32
    %dma_wait3A_532 = arith.constant 0 : i32
    %dma_wait3A_533 = arith.constant 0 : i32
    %dma_wait3A_534 = tpu.memref_slice %arg6[%dma_wait3A_530, %dma_wait3A_532, %dma_wait3A_533] : memref<6x32x512xf32, #tpu.memory_space<vmem>> -> memref<1x32x512xf32, #tpu.memory_space<vmem>>
    %dma_wait3A_535 = tpu.memref_squeeze %dma_wait3A_534 : memref<1x32x512xf32, #tpu.memory_space<vmem>> -> memref<32x512xf32, #tpu.memory_space<vmem>>
    %dma_wait3A_536 = arith.constant 0 : i32
    %dma_wait3A_537 = tpu.memref_slice %arg4[%add3A_513, %dma_wait3A_536] : memref<16384x512xf32, #tpu.memory_space<hbm>> -> memref<32x512xf32, #tpu.memory_space<hbm>>
    %dma_wait3A_538 = tpu.memref_slice %arg8[%dma_wait3A_531] : memref<6x!tpu.dma_semaphore, #tpu.memory_space<semaphore_mem>> -> memref<1x!tpu.dma_semaphore, #tpu.memory_space<semaphore_mem>>
    %dma_wait3A_539 = tpu.memref_squeeze %dma_wait3A_538 : memref<1x!tpu.dma_semaphore, #tpu.memory_space<semaphore_mem>> -> memref<!tpu.dma_semaphore, #tpu.memory_space<semaphore_mem>>
    %dma_wait3A_540 = arith.constant 0 : i32
    %dma_wait3A_541 = tpu.memref_slice %arg4[%add3A_513, %dma_wait3A_540] : memref<16384x512xf32, #tpu.memory_space<hbm>> -> memref<32x512xf32, #tpu.memory_space<hbm>>
    %dma_wait3A_542 = arith.constant 0 : i32
    %dma_wait3A_543 = arith.constant 0 : i32
    %dma_wait3A_544 = tpu.memref_slice %arg6[%dma_wait3A_530, %dma_wait3A_542, %dma_wait3A_543] : memref<6x32x512xf32, #tpu.memory_space<vmem>> -> memref<1x32x512xf32, #tpu.memory_space<vmem>>
    %dma_wait3A_545 = tpu.memref_squeeze %dma_wait3A_544 : memref<1x32x512xf32, #tpu.memory_space<vmem>> -> memref<32x512xf32, #tpu.memory_space<vmem>>
    tpu.wait_dma2 semaphore(%dma_wait3A_539 : memref<!tpu.dma_semaphore, #tpu.memory_space<semaphore_mem>>) src(%dma_wait3A_545 : memref<32x512xf32, #tpu.memory_space<vmem>>) dst(%dma_wait3A_541 : memref<32x512xf32, #tpu.memory_space<hbm>>)
    %dma_start3A_546 = arith.constant 1 : i32
    %dma_start3A_547 = arith.constant 1 : i32
    %dma_start3A_548 = arith.constant 0 : i32
    %dma_start3A_549 = arith.constant 0 : i32
    %dma_start3A_550 = tpu.memref_slice %arg6[%dma_start3A_546, %dma_start3A_548, %dma_start3A_549] : memref<6x32x512xf32, #tpu.memory_space<vmem>> -> memref<1x32x512xf32, #tpu.memory_space<vmem>>
    %dma_start3A_551 = tpu.memref_squeeze %dma_start3A_550 : memref<1x32x512xf32, #tpu.memory_space<vmem>> -> memref<32x512xf32, #tpu.memory_space<vmem>>
    %dma_start3A_552 = arith.constant 416 : i32
    %dma_start3A_553 = tpu.memref_slice %arg5[%dma_start3A_552] : memref<512xi32, #tpu.memory_space<vmem>> -> memref<32xi32, #tpu.memory_space<vmem>>
    %dma_start3A_554 = arith.constant 0 : i32
    %dma_start3A_555 = arith.constant 0 : i32
    %dma_start3A_556 = tpu.memref_slice %arg2[%dma_start3A_554, %dma_start3A_555] : memref<10000x512xf32, #tpu.memory_space<hbm>> -> memref<10000x512xf32, #tpu.memory_space<hbm>>
    %dma_start3A_557 = tpu.memref_slice %arg7[%dma_start3A_547] : memref<6x!tpu.dma_semaphore, #tpu.memory_space<semaphore_mem>> -> memref<1x!tpu.dma_semaphore, #tpu.memory_space<semaphore_mem>>
    %dma_start3A_558 = tpu.memref_squeeze %dma_start3A_557 : memref<1x!tpu.dma_semaphore, #tpu.memory_space<semaphore_mem>> -> memref<!tpu.dma_semaphore, #tpu.memory_space<semaphore_mem>>
    tpu.enqueue_indirect_dma source(%dma_start3A_556 : memref<10000x512xf32, #tpu.memory_space<hbm>>) target(%dma_start3A_551 : memref<32x512xf32, #tpu.memory_space<vmem>>) offsets(%dma_start3A_553 : memref<32xi32, #tpu.memory_space<vmem>>) semaphore(%dma_start3A_558 : memref<!tpu.dma_semaphore, #tpu.memory_space<semaphore_mem>>)
    %dma_wait3A_559 = arith.constant 2 : i32
    %dma_wait3A_560 = arith.constant 2 : i32
    %dma_wait3A_561 = arith.constant 0 : i32
    %dma_wait3A_562 = arith.constant 0 : i32
    %dma_wait3A_563 = tpu.memref_slice %arg6[%dma_wait3A_559, %dma_wait3A_561, %dma_wait3A_562] : memref<6x32x512xf32, #tpu.memory_space<vmem>> -> memref<1x32x512xf32, #tpu.memory_space<vmem>>
    %dma_wait3A_564 = tpu.memref_squeeze %dma_wait3A_563 : memref<1x32x512xf32, #tpu.memory_space<vmem>> -> memref<32x512xf32, #tpu.memory_space<vmem>>
    %dma_wait3A_565 = arith.constant 256 : i32
    %dma_wait3A_566 = tpu.memref_slice %arg5[%dma_wait3A_565] : memref<512xi32, #tpu.memory_space<vmem>> -> memref<32xi32, #tpu.memory_space<vmem>>
    %dma_wait3A_567 = arith.constant 0 : i32
    %dma_wait3A_568 = arith.constant 0 : i32
    %dma_wait3A_569 = tpu.memref_slice %arg2[%dma_wait3A_567, %dma_wait3A_568] : memref<10000x512xf32, #tpu.memory_space<hbm>> -> memref<10000x512xf32, #tpu.memory_space<hbm>>
    %dma_wait3A_570 = tpu.memref_slice %arg7[%dma_wait3A_560] : memref<6x!tpu.dma_semaphore, #tpu.memory_space<semaphore_mem>> -> memref<1x!tpu.dma_semaphore, #tpu.memory_space<semaphore_mem>>
    %dma_wait3A_571 = tpu.memref_squeeze %dma_wait3A_570 : memref<1x!tpu.dma_semaphore, #tpu.memory_space<semaphore_mem>> -> memref<!tpu.dma_semaphore, #tpu.memory_space<semaphore_mem>>
    tpu.wait_indirect_dma semaphore(%dma_wait3A_571 : memref<!tpu.dma_semaphore, #tpu.memory_space<semaphore_mem>>) src(%dma_wait3A_569 : memref<10000x512xf32, #tpu.memory_space<hbm>>) dst(%dma_wait3A_564 : memref<32x512xf32, #tpu.memory_space<vmem>>)
    %add3A_572 = arith.constant 256 : i32
    %add3A_573 = arith.addi %mul3A_2, %add3A_572 : i32
    %dma_start3A_574 = arith.constant 2 : i32
    %dma_start3A_575 = arith.constant 2 : i32
    %dma_start3A_576 = arith.constant 0 : i32
    %dma_start3A_577 = arith.constant 0 : i32
    %dma_start3A_578 = tpu.memref_slice %arg6[%dma_start3A_574, %dma_start3A_576, %dma_start3A_577] : memref<6x32x512xf32, #tpu.memory_space<vmem>> -> memref<1x32x512xf32, #tpu.memory_space<vmem>>
    %dma_start3A_579 = tpu.memref_squeeze %dma_start3A_578 : memref<1x32x512xf32, #tpu.memory_space<vmem>> -> memref<32x512xf32, #tpu.memory_space<vmem>>
    %dma_start3A_580 = arith.constant 0 : i32
    %dma_start3A_581 = tpu.memref_slice %arg4[%add3A_573, %dma_start3A_580] : memref<16384x512xf32, #tpu.memory_space<hbm>> -> memref<32x512xf32, #tpu.memory_space<hbm>>
    %dma_start3A_582 = tpu.memref_slice %arg8[%dma_start3A_575] : memref<6x!tpu.dma_semaphore, #tpu.memory_space<semaphore_mem>> -> memref<1x!tpu.dma_semaphore, #tpu.memory_space<semaphore_mem>>
    %dma_start3A_583 = tpu.memref_squeeze %dma_start3A_582 : memref<1x!tpu.dma_semaphore, #tpu.memory_space<semaphore_mem>> -> memref<!tpu.dma_semaphore, #tpu.memory_space<semaphore_mem>>
    %dma_start3A_584 = arith.constant 0 : i32
    %dma_start3A_585 = tpu.memref_slice %arg4[%add3A_573, %dma_start3A_584] : memref<16384x512xf32, #tpu.memory_space<hbm>> -> memref<32x512xf32, #tpu.memory_space<hbm>>
    %dma_start3A_586 = arith.constant 0 : i32
    %dma_start3A_587 = arith.constant 0 : i32
    %dma_start3A_588 = tpu.memref_slice %arg6[%dma_start3A_574, %dma_start3A_586, %dma_start3A_587] : memref<6x32x512xf32, #tpu.memory_space<vmem>> -> memref<1x32x512xf32, #tpu.memory_space<vmem>>
    %dma_start3A_589 = tpu.memref_squeeze %dma_start3A_588 : memref<1x32x512xf32, #tpu.memory_space<vmem>> -> memref<32x512xf32, #tpu.memory_space<vmem>>
    tpu.enqueue_dma source(%dma_start3A_589 : memref<32x512xf32, #tpu.memory_space<vmem>>) target(%dma_start3A_585 : memref<32x512xf32, #tpu.memory_space<hbm>>) target_semaphore(%dma_start3A_583 : memref<!tpu.dma_semaphore, #tpu.memory_space<semaphore_mem>>)
    %dma_wait3A_590 = arith.constant 2 : i32
    %dma_wait3A_591 = arith.constant 2 : i32
    %dma_wait3A_592 = arith.constant 0 : i32
    %dma_wait3A_593 = arith.constant 0 : i32
    %dma_wait3A_594 = tpu.memref_slice %arg6[%dma_wait3A_590, %dma_wait3A_592, %dma_wait3A_593] : memref<6x32x512xf32, #tpu.memory_space<vmem>> -> memref<1x32x512xf32, #tpu.memory_space<vmem>>
    %dma_wait3A_595 = tpu.memref_squeeze %dma_wait3A_594 : memref<1x32x512xf32, #tpu.memory_space<vmem>> -> memref<32x512xf32, #tpu.memory_space<vmem>>
    %dma_wait3A_596 = arith.constant 0 : i32
    %dma_wait3A_597 = tpu.memref_slice %arg4[%add3A_573, %dma_wait3A_596] : memref<16384x512xf32, #tpu.memory_space<hbm>> -> memref<32x512xf32, #tpu.memory_space<hbm>>
    %dma_wait3A_598 = tpu.memref_slice %arg8[%dma_wait3A_591] : memref<6x!tpu.dma_semaphore, #tpu.memory_space<semaphore_mem>> -> memref<1x!tpu.dma_semaphore, #tpu.memory_space<semaphore_mem>>
    %dma_wait3A_599 = tpu.memref_squeeze %dma_wait3A_598 : memref<1x!tpu.dma_semaphore, #tpu.memory_space<semaphore_mem>> -> memref<!tpu.dma_semaphore, #tpu.memory_space<semaphore_mem>>
    %dma_wait3A_600 = arith.constant 0 : i32
    %dma_wait3A_601 = tpu.memref_slice %arg4[%add3A_573, %dma_wait3A_600] : memref<16384x512xf32, #tpu.memory_space<hbm>> -> memref<32x512xf32, #tpu.memory_space<hbm>>
    %dma_wait3A_602 = arith.constant 0 : i32
    %dma_wait3A_603 = arith.constant 0 : i32
    %dma_wait3A_604 = tpu.memref_slice %arg6[%dma_wait3A_590, %dma_wait3A_602, %dma_wait3A_603] : memref<6x32x512xf32, #tpu.memory_space<vmem>> -> memref<1x32x512xf32, #tpu.memory_space<vmem>>
    %dma_wait3A_605 = tpu.memref_squeeze %dma_wait3A_604 : memref<1x32x512xf32, #tpu.memory_space<vmem>> -> memref<32x512xf32, #tpu.memory_space<vmem>>
    tpu.wait_dma2 semaphore(%dma_wait3A_599 : memref<!tpu.dma_semaphore, #tpu.memory_space<semaphore_mem>>) src(%dma_wait3A_605 : memref<32x512xf32, #tpu.memory_space<vmem>>) dst(%dma_wait3A_601 : memref<32x512xf32, #tpu.memory_space<hbm>>)
    %dma_start3A_606 = arith.constant 2 : i32
    %dma_start3A_607 = arith.constant 2 : i32
    %dma_start3A_608 = arith.constant 0 : i32
    %dma_start3A_609 = arith.constant 0 : i32
    %dma_start3A_610 = tpu.memref_slice %arg6[%dma_start3A_606, %dma_start3A_608, %dma_start3A_609] : memref<6x32x512xf32, #tpu.memory_space<vmem>> -> memref<1x32x512xf32, #tpu.memory_space<vmem>>
    %dma_start3A_611 = tpu.memref_squeeze %dma_start3A_610 : memref<1x32x512xf32, #tpu.memory_space<vmem>> -> memref<32x512xf32, #tpu.memory_space<vmem>>
    %dma_start3A_612 = arith.constant 448 : i32
    %dma_start3A_613 = tpu.memref_slice %arg5[%dma_start3A_612] : memref<512xi32, #tpu.memory_space<vmem>> -> memref<32xi32, #tpu.memory_space<vmem>>
    %dma_start3A_614 = arith.constant 0 : i32
    %dma_start3A_615 = arith.constant 0 : i32
    %dma_start3A_616 = tpu.memref_slice %arg2[%dma_start3A_614, %dma_start3A_615] : memref<10000x512xf32, #tpu.memory_space<hbm>> -> memref<10000x512xf32, #tpu.memory_space<hbm>>
    %dma_start3A_617 = tpu.memref_slice %arg7[%dma_start3A_607] : memref<6x!tpu.dma_semaphore, #tpu.memory_space<semaphore_mem>> -> memref<1x!tpu.dma_semaphore, #tpu.memory_space<semaphore_mem>>
    %dma_start3A_618 = tpu.memref_squeeze %dma_start3A_617 : memref<1x!tpu.dma_semaphore, #tpu.memory_space<semaphore_mem>> -> memref<!tpu.dma_semaphore, #tpu.memory_space<semaphore_mem>>
    tpu.enqueue_indirect_dma source(%dma_start3A_616 : memref<10000x512xf32, #tpu.memory_space<hbm>>) target(%dma_start3A_611 : memref<32x512xf32, #tpu.memory_space<vmem>>) offsets(%dma_start3A_613 : memref<32xi32, #tpu.memory_space<vmem>>) semaphore(%dma_start3A_618 : memref<!tpu.dma_semaphore, #tpu.memory_space<semaphore_mem>>)
    %dma_wait3A_619 = arith.constant 3 : i32
    %dma_wait3A_620 = arith.constant 3 : i32
    %dma_wait3A_621 = arith.constant 0 : i32
    %dma_wait3A_622 = arith.constant 0 : i32
    %dma_wait3A_623 = tpu.memref_slice %arg6[%dma_wait3A_619, %dma_wait3A_621, %dma_wait3A_622] : memref<6x32x512xf32, #tpu.memory_space<vmem>> -> memref<1x32x512xf32, #tpu.memory_space<vmem>>
    %dma_wait3A_624 = tpu.memref_squeeze %dma_wait3A_623 : memref<1x32x512xf32, #tpu.memory_space<vmem>> -> memref<32x512xf32, #tpu.memory_space<vmem>>
    %dma_wait3A_625 = arith.constant 288 : i32
    %dma_wait3A_626 = tpu.memref_slice %arg5[%dma_wait3A_625] : memref<512xi32, #tpu.memory_space<vmem>> -> memref<32xi32, #tpu.memory_space<vmem>>
    %dma_wait3A_627 = arith.constant 0 : i32
    %dma_wait3A_628 = arith.constant 0 : i32
    %dma_wait3A_629 = tpu.memref_slice %arg2[%dma_wait3A_627, %dma_wait3A_628] : memref<10000x512xf32, #tpu.memory_space<hbm>> -> memref<10000x512xf32, #tpu.memory_space<hbm>>
    %dma_wait3A_630 = tpu.memref_slice %arg7[%dma_wait3A_620] : memref<6x!tpu.dma_semaphore, #tpu.memory_space<semaphore_mem>> -> memref<1x!tpu.dma_semaphore, #tpu.memory_space<semaphore_mem>>
    %dma_wait3A_631 = tpu.memref_squeeze %dma_wait3A_630 : memref<1x!tpu.dma_semaphore, #tpu.memory_space<semaphore_mem>> -> memref<!tpu.dma_semaphore, #tpu.memory_space<semaphore_mem>>
    tpu.wait_indirect_dma semaphore(%dma_wait3A_631 : memref<!tpu.dma_semaphore, #tpu.memory_space<semaphore_mem>>) src(%dma_wait3A_629 : memref<10000x512xf32, #tpu.memory_space<hbm>>) dst(%dma_wait3A_624 : memref<32x512xf32, #tpu.memory_space<vmem>>)
    %add3A_632 = arith.constant 288 : i32
    %add3A_633 = arith.addi %mul3A_2, %add3A_632 : i32
    %dma_start3A_634 = arith.constant 3 : i32
    %dma_start3A_635 = arith.constant 3 : i32
    %dma_start3A_636 = arith.constant 0 : i32
    %dma_start3A_637 = arith.constant 0 : i32
    %dma_start3A_638 = tpu.memref_slice %arg6[%dma_start3A_634, %dma_start3A_636, %dma_start3A_637] : memref<6x32x512xf32, #tpu.memory_space<vmem>> -> memref<1x32x512xf32, #tpu.memory_space<vmem>>
    %dma_start3A_639 = tpu.memref_squeeze %dma_start3A_638 : memref<1x32x512xf32, #tpu.memory_space<vmem>> -> memref<32x512xf32, #tpu.memory_space<vmem>>
    %dma_start3A_640 = arith.constant 0 : i32
    %dma_start3A_641 = tpu.memref_slice %arg4[%add3A_633, %dma_start3A_640] : memref<16384x512xf32, #tpu.memory_space<hbm>> -> memref<32x512xf32, #tpu.memory_space<hbm>>
    %dma_start3A_642 = tpu.memref_slice %arg8[%dma_start3A_635] : memref<6x!tpu.dma_semaphore, #tpu.memory_space<semaphore_mem>> -> memref<1x!tpu.dma_semaphore, #tpu.memory_space<semaphore_mem>>
    %dma_start3A_643 = tpu.memref_squeeze %dma_start3A_642 : memref<1x!tpu.dma_semaphore, #tpu.memory_space<semaphore_mem>> -> memref<!tpu.dma_semaphore, #tpu.memory_space<semaphore_mem>>
    %dma_start3A_644 = arith.constant 0 : i32
    %dma_start3A_645 = tpu.memref_slice %arg4[%add3A_633, %dma_start3A_644] : memref<16384x512xf32, #tpu.memory_space<hbm>> -> memref<32x512xf32, #tpu.memory_space<hbm>>
    %dma_start3A_646 = arith.constant 0 : i32
    %dma_start3A_647 = arith.constant 0 : i32
    %dma_start3A_648 = tpu.memref_slice %arg6[%dma_start3A_634, %dma_start3A_646, %dma_start3A_647] : memref<6x32x512xf32, #tpu.memory_space<vmem>> -> memref<1x32x512xf32, #tpu.memory_space<vmem>>
    %dma_start3A_649 = tpu.memref_squeeze %dma_start3A_648 : memref<1x32x512xf32, #tpu.memory_space<vmem>> -> memref<32x512xf32, #tpu.memory_space<vmem>>
    tpu.enqueue_dma source(%dma_start3A_649 : memref<32x512xf32, #tpu.memory_space<vmem>>) target(%dma_start3A_645 : memref<32x512xf32, #tpu.memory_space<hbm>>) target_semaphore(%dma_start3A_643 : memref<!tpu.dma_semaphore, #tpu.memory_space<semaphore_mem>>)
    %dma_wait3A_650 = arith.constant 3 : i32
    %dma_wait3A_651 = arith.constant 3 : i32
    %dma_wait3A_652 = arith.constant 0 : i32
    %dma_wait3A_653 = arith.constant 0 : i32
    %dma_wait3A_654 = tpu.memref_slice %arg6[%dma_wait3A_650, %dma_wait3A_652, %dma_wait3A_653] : memref<6x32x512xf32, #tpu.memory_space<vmem>> -> memref<1x32x512xf32, #tpu.memory_space<vmem>>
    %dma_wait3A_655 = tpu.memref_squeeze %dma_wait3A_654 : memref<1x32x512xf32, #tpu.memory_space<vmem>> -> memref<32x512xf32, #tpu.memory_space<vmem>>
    %dma_wait3A_656 = arith.constant 0 : i32
    %dma_wait3A_657 = tpu.memref_slice %arg4[%add3A_633, %dma_wait3A_656] : memref<16384x512xf32, #tpu.memory_space<hbm>> -> memref<32x512xf32, #tpu.memory_space<hbm>>
    %dma_wait3A_658 = tpu.memref_slice %arg8[%dma_wait3A_651] : memref<6x!tpu.dma_semaphore, #tpu.memory_space<semaphore_mem>> -> memref<1x!tpu.dma_semaphore, #tpu.memory_space<semaphore_mem>>
    %dma_wait3A_659 = tpu.memref_squeeze %dma_wait3A_658 : memref<1x!tpu.dma_semaphore, #tpu.memory_space<semaphore_mem>> -> memref<!tpu.dma_semaphore, #tpu.memory_space<semaphore_mem>>
    %dma_wait3A_660 = arith.constant 0 : i32
    %dma_wait3A_661 = tpu.memref_slice %arg4[%add3A_633, %dma_wait3A_660] : memref<16384x512xf32, #tpu.memory_space<hbm>> -> memref<32x512xf32, #tpu.memory_space<hbm>>
    %dma_wait3A_662 = arith.constant 0 : i32
    %dma_wait3A_663 = arith.constant 0 : i32
    %dma_wait3A_664 = tpu.memref_slice %arg6[%dma_wait3A_650, %dma_wait3A_662, %dma_wait3A_663] : memref<6x32x512xf32, #tpu.memory_space<vmem>> -> memref<1x32x512xf32, #tpu.memory_space<vmem>>
    %dma_wait3A_665 = tpu.memref_squeeze %dma_wait3A_664 : memref<1x32x512xf32, #tpu.memory_space<vmem>> -> memref<32x512xf32, #tpu.memory_space<vmem>>
    tpu.wait_dma2 semaphore(%dma_wait3A_659 : memref<!tpu.dma_semaphore, #tpu.memory_space<semaphore_mem>>) src(%dma_wait3A_665 : memref<32x512xf32, #tpu.memory_space<vmem>>) dst(%dma_wait3A_661 : memref<32x512xf32, #tpu.memory_space<hbm>>)
    %dma_start3A_666 = arith.constant 3 : i32
    %dma_start3A_667 = arith.constant 3 : i32
    %dma_start3A_668 = arith.constant 0 : i32
    %dma_start3A_669 = arith.constant 0 : i32
    %dma_start3A_670 = tpu.memref_slice %arg6[%dma_start3A_666, %dma_start3A_668, %dma_start3A_669] : memref<6x32x512xf32, #tpu.memory_space<vmem>> -> memref<1x32x512xf32, #tpu.memory_space<vmem>>
    %dma_start3A_671 = tpu.memref_squeeze %dma_start3A_670 : memref<1x32x512xf32, #tpu.memory_space<vmem>> -> memref<32x512xf32, #tpu.memory_space<vmem>>
    %dma_start3A_672 = arith.constant 480 : i32
    %dma_start3A_673 = tpu.memref_slice %arg5[%dma_start3A_672] : memref<512xi32, #tpu.memory_space<vmem>> -> memref<32xi32, #tpu.memory_space<vmem>>
    %dma_start3A_674 = arith.constant 0 : i32
    %dma_start3A_675 = arith.constant 0 : i32
    %dma_start3A_676 = tpu.memref_slice %arg2[%dma_start3A_674, %dma_start3A_675] : memref<10000x512xf32, #tpu.memory_space<hbm>> -> memref<10000x512xf32, #tpu.memory_space<hbm>>
    %dma_start3A_677 = tpu.memref_slice %arg7[%dma_start3A_667] : memref<6x!tpu.dma_semaphore, #tpu.memory_space<semaphore_mem>> -> memref<1x!tpu.dma_semaphore, #tpu.memory_space<semaphore_mem>>
    %dma_start3A_678 = tpu.memref_squeeze %dma_start3A_677 : memref<1x!tpu.dma_semaphore, #tpu.memory_space<semaphore_mem>> -> memref<!tpu.dma_semaphore, #tpu.memory_space<semaphore_mem>>
    tpu.enqueue_indirect_dma source(%dma_start3A_676 : memref<10000x512xf32, #tpu.memory_space<hbm>>) target(%dma_start3A_671 : memref<32x512xf32, #tpu.memory_space<vmem>>) offsets(%dma_start3A_673 : memref<32xi32, #tpu.memory_space<vmem>>) semaphore(%dma_start3A_678 : memref<!tpu.dma_semaphore, #tpu.memory_space<semaphore_mem>>)
    %dma_wait3A_679 = arith.constant 4 : i32
    %dma_wait3A_680 = arith.constant 4 : i32
    %dma_wait3A_681 = arith.constant 0 : i32
    %dma_wait3A_682 = arith.constant 0 : i32
    %dma_wait3A_683 = tpu.memref_slice %arg6[%dma_wait3A_679, %dma_wait3A_681, %dma_wait3A_682] : memref<6x32x512xf32, #tpu.memory_space<vmem>> -> memref<1x32x512xf32, #tpu.memory_space<vmem>>
    %dma_wait3A_684 = tpu.memref_squeeze %dma_wait3A_683 : memref<1x32x512xf32, #tpu.memory_space<vmem>> -> memref<32x512xf32, #tpu.memory_space<vmem>>
    %dma_wait3A_685 = arith.constant 320 : i32
    %dma_wait3A_686 = tpu.memref_slice %arg5[%dma_wait3A_685] : memref<512xi32, #tpu.memory_space<vmem>> -> memref<32xi32, #tpu.memory_space<vmem>>
    %dma_wait3A_687 = arith.constant 0 : i32
    %dma_wait3A_688 = arith.constant 0 : i32
    %dma_wait3A_689 = tpu.memref_slice %arg2[%dma_wait3A_687, %dma_wait3A_688] : memref<10000x512xf32, #tpu.memory_space<hbm>> -> memref<10000x512xf32, #tpu.memory_space<hbm>>
    %dma_wait3A_690 = tpu.memref_slice %arg7[%dma_wait3A_680] : memref<6x!tpu.dma_semaphore, #tpu.memory_space<semaphore_mem>> -> memref<1x!tpu.dma_semaphore, #tpu.memory_space<semaphore_mem>>
    %dma_wait3A_691 = tpu.memref_squeeze %dma_wait3A_690 : memref<1x!tpu.dma_semaphore, #tpu.memory_space<semaphore_mem>> -> memref<!tpu.dma_semaphore, #tpu.memory_space<semaphore_mem>>
    tpu.wait_indirect_dma semaphore(%dma_wait3A_691 : memref<!tpu.dma_semaphore, #tpu.memory_space<semaphore_mem>>) src(%dma_wait3A_689 : memref<10000x512xf32, #tpu.memory_space<hbm>>) dst(%dma_wait3A_684 : memref<32x512xf32, #tpu.memory_space<vmem>>)
    %add3A_692 = arith.constant 320 : i32
    %add3A_693 = arith.addi %mul3A_2, %add3A_692 : i32
    %dma_start3A_694 = arith.constant 4 : i32
    %dma_start3A_695 = arith.constant 4 : i32
    %dma_start3A_696 = arith.constant 0 : i32
    %dma_start3A_697 = arith.constant 0 : i32
    %dma_start3A_698 = tpu.memref_slice %arg6[%dma_start3A_694, %dma_start3A_696, %dma_start3A_697] : memref<6x32x512xf32, #tpu.memory_space<vmem>> -> memref<1x32x512xf32, #tpu.memory_space<vmem>>
    %dma_start3A_699 = tpu.memref_squeeze %dma_start3A_698 : memref<1x32x512xf32, #tpu.memory_space<vmem>> -> memref<32x512xf32, #tpu.memory_space<vmem>>
    %dma_start3A_700 = arith.constant 0 : i32
    %dma_start3A_701 = tpu.memref_slice %arg4[%add3A_693, %dma_start3A_700] : memref<16384x512xf32, #tpu.memory_space<hbm>> -> memref<32x512xf32, #tpu.memory_space<hbm>>
    %dma_start3A_702 = tpu.memref_slice %arg8[%dma_start3A_695] : memref<6x!tpu.dma_semaphore, #tpu.memory_space<semaphore_mem>> -> memref<1x!tpu.dma_semaphore, #tpu.memory_space<semaphore_mem>>
    %dma_start3A_703 = tpu.memref_squeeze %dma_start3A_702 : memref<1x!tpu.dma_semaphore, #tpu.memory_space<semaphore_mem>> -> memref<!tpu.dma_semaphore, #tpu.memory_space<semaphore_mem>>
    %dma_start3A_704 = arith.constant 0 : i32
    %dma_start3A_705 = tpu.memref_slice %arg4[%add3A_693, %dma_start3A_704] : memref<16384x512xf32, #tpu.memory_space<hbm>> -> memref<32x512xf32, #tpu.memory_space<hbm>>
    %dma_start3A_706 = arith.constant 0 : i32
    %dma_start3A_707 = arith.constant 0 : i32
    %dma_start3A_708 = tpu.memref_slice %arg6[%dma_start3A_694, %dma_start3A_706, %dma_start3A_707] : memref<6x32x512xf32, #tpu.memory_space<vmem>> -> memref<1x32x512xf32, #tpu.memory_space<vmem>>
    %dma_start3A_709 = tpu.memref_squeeze %dma_start3A_708 : memref<1x32x512xf32, #tpu.memory_space<vmem>> -> memref<32x512xf32, #tpu.memory_space<vmem>>
    tpu.enqueue_dma source(%dma_start3A_709 : memref<32x512xf32, #tpu.memory_space<vmem>>) target(%dma_start3A_705 : memref<32x512xf32, #tpu.memory_space<hbm>>) target_semaphore(%dma_start3A_703 : memref<!tpu.dma_semaphore, #tpu.memory_space<semaphore_mem>>)
    %dma_wait3A_710 = arith.constant 5 : i32
    %dma_wait3A_711 = arith.constant 5 : i32
    %dma_wait3A_712 = arith.constant 0 : i32
    %dma_wait3A_713 = arith.constant 0 : i32
    %dma_wait3A_714 = tpu.memref_slice %arg6[%dma_wait3A_710, %dma_wait3A_712, %dma_wait3A_713] : memref<6x32x512xf32, #tpu.memory_space<vmem>> -> memref<1x32x512xf32, #tpu.memory_space<vmem>>
    %dma_wait3A_715 = tpu.memref_squeeze %dma_wait3A_714 : memref<1x32x512xf32, #tpu.memory_space<vmem>> -> memref<32x512xf32, #tpu.memory_space<vmem>>
    %dma_wait3A_716 = arith.constant 352 : i32
    %dma_wait3A_717 = tpu.memref_slice %arg5[%dma_wait3A_716] : memref<512xi32, #tpu.memory_space<vmem>> -> memref<32xi32, #tpu.memory_space<vmem>>
    %dma_wait3A_718 = arith.constant 0 : i32
    %dma_wait3A_719 = arith.constant 0 : i32
    %dma_wait3A_720 = tpu.memref_slice %arg2[%dma_wait3A_718, %dma_wait3A_719] : memref<10000x512xf32, #tpu.memory_space<hbm>> -> memref<10000x512xf32, #tpu.memory_space<hbm>>
    %dma_wait3A_721 = tpu.memref_slice %arg7[%dma_wait3A_711] : memref<6x!tpu.dma_semaphore, #tpu.memory_space<semaphore_mem>> -> memref<1x!tpu.dma_semaphore, #tpu.memory_space<semaphore_mem>>
    %dma_wait3A_722 = tpu.memref_squeeze %dma_wait3A_721 : memref<1x!tpu.dma_semaphore, #tpu.memory_space<semaphore_mem>> -> memref<!tpu.dma_semaphore, #tpu.memory_space<semaphore_mem>>
    tpu.wait_indirect_dma semaphore(%dma_wait3A_722 : memref<!tpu.dma_semaphore, #tpu.memory_space<semaphore_mem>>) src(%dma_wait3A_720 : memref<10000x512xf32, #tpu.memory_space<hbm>>) dst(%dma_wait3A_715 : memref<32x512xf32, #tpu.memory_space<vmem>>)
    %add3A_723 = arith.constant 352 : i32
    %add3A_724 = arith.addi %mul3A_2, %add3A_723 : i32
    %dma_start3A_725 = arith.constant 5 : i32
    %dma_start3A_726 = arith.constant 5 : i32
    %dma_start3A_727 = arith.constant 0 : i32
    %dma_start3A_728 = arith.constant 0 : i32
    %dma_start3A_729 = tpu.memref_slice %arg6[%dma_start3A_725, %dma_start3A_727, %dma_start3A_728] : memref<6x32x512xf32, #tpu.memory_space<vmem>> -> memref<1x32x512xf32, #tpu.memory_space<vmem>>
    %dma_start3A_730 = tpu.memref_squeeze %dma_start3A_729 : memref<1x32x512xf32, #tpu.memory_space<vmem>> -> memref<32x512xf32, #tpu.memory_space<vmem>>
    %dma_start3A_731 = arith.constant 0 : i32
    %dma_start3A_732 = tpu.memref_slice %arg4[%add3A_724, %dma_start3A_731] : memref<16384x512xf32, #tpu.memory_space<hbm>> -> memref<32x512xf32, #tpu.memory_space<hbm>>
    %dma_start3A_733 = tpu.memref_slice %arg8[%dma_start3A_726] : memref<6x!tpu.dma_semaphore, #tpu.memory_space<semaphore_mem>> -> memref<1x!tpu.dma_semaphore, #tpu.memory_space<semaphore_mem>>
    %dma_start3A_734 = tpu.memref_squeeze %dma_start3A_733 : memref<1x!tpu.dma_semaphore, #tpu.memory_space<semaphore_mem>> -> memref<!tpu.dma_semaphore, #tpu.memory_space<semaphore_mem>>
    %dma_start3A_735 = arith.constant 0 : i32
    %dma_start3A_736 = tpu.memref_slice %arg4[%add3A_724, %dma_start3A_735] : memref<16384x512xf32, #tpu.memory_space<hbm>> -> memref<32x512xf32, #tpu.memory_space<hbm>>
    %dma_start3A_737 = arith.constant 0 : i32
    %dma_start3A_738 = arith.constant 0 : i32
    %dma_start3A_739 = tpu.memref_slice %arg6[%dma_start3A_725, %dma_start3A_737, %dma_start3A_738] : memref<6x32x512xf32, #tpu.memory_space<vmem>> -> memref<1x32x512xf32, #tpu.memory_space<vmem>>
    %dma_start3A_740 = tpu.memref_squeeze %dma_start3A_739 : memref<1x32x512xf32, #tpu.memory_space<vmem>> -> memref<32x512xf32, #tpu.memory_space<vmem>>
    tpu.enqueue_dma source(%dma_start3A_740 : memref<32x512xf32, #tpu.memory_space<vmem>>) target(%dma_start3A_736 : memref<32x512xf32, #tpu.memory_space<hbm>>) target_semaphore(%dma_start3A_734 : memref<!tpu.dma_semaphore, #tpu.memory_space<semaphore_mem>>)
    %dma_wait3A_741 = arith.constant 0 : i32
    %dma_wait3A_742 = arith.constant 0 : i32
    %dma_wait3A_743 = arith.constant 0 : i32
    %dma_wait3A_744 = arith.constant 0 : i32
    %dma_wait3A_745 = tpu.memref_slice %arg6[%dma_wait3A_741, %dma_wait3A_743, %dma_wait3A_744] : memref<6x32x512xf32, #tpu.memory_space<vmem>> -> memref<1x32x512xf32, #tpu.memory_space<vmem>>
    %dma_wait3A_746 = tpu.memref_squeeze %dma_wait3A_745 : memref<1x32x512xf32, #tpu.memory_space<vmem>> -> memref<32x512xf32, #tpu.memory_space<vmem>>
    %dma_wait3A_747 = arith.constant 384 : i32
    %dma_wait3A_748 = tpu.memref_slice %arg5[%dma_wait3A_747] : memref<512xi32, #tpu.memory_space<vmem>> -> memref<32xi32, #tpu.memory_space<vmem>>
    %dma_wait3A_749 = arith.constant 0 : i32
    %dma_wait3A_750 = arith.constant 0 : i32
    %dma_wait3A_751 = tpu.memref_slice %arg2[%dma_wait3A_749, %dma_wait3A_750] : memref<10000x512xf32, #tpu.memory_space<hbm>> -> memref<10000x512xf32, #tpu.memory_space<hbm>>
    %dma_wait3A_752 = tpu.memref_slice %arg7[%dma_wait3A_742] : memref<6x!tpu.dma_semaphore, #tpu.memory_space<semaphore_mem>> -> memref<1x!tpu.dma_semaphore, #tpu.memory_space<semaphore_mem>>
    %dma_wait3A_753 = tpu.memref_squeeze %dma_wait3A_752 : memref<1x!tpu.dma_semaphore, #tpu.memory_space<semaphore_mem>> -> memref<!tpu.dma_semaphore, #tpu.memory_space<semaphore_mem>>
    tpu.wait_indirect_dma semaphore(%dma_wait3A_753 : memref<!tpu.dma_semaphore, #tpu.memory_space<semaphore_mem>>) src(%dma_wait3A_751 : memref<10000x512xf32, #tpu.memory_space<hbm>>) dst(%dma_wait3A_746 : memref<32x512xf32, #tpu.memory_space<vmem>>)
    %add3A_754 = arith.constant 384 : i32
    %add3A_755 = arith.addi %mul3A_2, %add3A_754 : i32
    %dma_start3A_756 = arith.constant 0 : i32
    %dma_start3A_757 = arith.constant 0 : i32
    %dma_start3A_758 = arith.constant 0 : i32
    %dma_start3A_759 = arith.constant 0 : i32
    %dma_start3A_760 = tpu.memref_slice %arg6[%dma_start3A_756, %dma_start3A_758, %dma_start3A_759] : memref<6x32x512xf32, #tpu.memory_space<vmem>> -> memref<1x32x512xf32, #tpu.memory_space<vmem>>
    %dma_start3A_761 = tpu.memref_squeeze %dma_start3A_760 : memref<1x32x512xf32, #tpu.memory_space<vmem>> -> memref<32x512xf32, #tpu.memory_space<vmem>>
    %dma_start3A_762 = arith.constant 0 : i32
    %dma_start3A_763 = tpu.memref_slice %arg4[%add3A_755, %dma_start3A_762] : memref<16384x512xf32, #tpu.memory_space<hbm>> -> memref<32x512xf32, #tpu.memory_space<hbm>>
    %dma_start3A_764 = tpu.memref_slice %arg8[%dma_start3A_757] : memref<6x!tpu.dma_semaphore, #tpu.memory_space<semaphore_mem>> -> memref<1x!tpu.dma_semaphore, #tpu.memory_space<semaphore_mem>>
    %dma_start3A_765 = tpu.memref_squeeze %dma_start3A_764 : memref<1x!tpu.dma_semaphore, #tpu.memory_space<semaphore_mem>> -> memref<!tpu.dma_semaphore, #tpu.memory_space<semaphore_mem>>
    %dma_start3A_766 = arith.constant 0 : i32
    %dma_start3A_767 = tpu.memref_slice %arg4[%add3A_755, %dma_start3A_766] : memref<16384x512xf32, #tpu.memory_space<hbm>> -> memref<32x512xf32, #tpu.memory_space<hbm>>
    %dma_start3A_768 = arith.constant 0 : i32
    %dma_start3A_769 = arith.constant 0 : i32
    %dma_start3A_770 = tpu.memref_slice %arg6[%dma_start3A_756, %dma_start3A_768, %dma_start3A_769] : memref<6x32x512xf32, #tpu.memory_space<vmem>> -> memref<1x32x512xf32, #tpu.memory_space<vmem>>
    %dma_start3A_771 = tpu.memref_squeeze %dma_start3A_770 : memref<1x32x512xf32, #tpu.memory_space<vmem>> -> memref<32x512xf32, #tpu.memory_space<vmem>>
    tpu.enqueue_dma source(%dma_start3A_771 : memref<32x512xf32, #tpu.memory_space<vmem>>) target(%dma_start3A_767 : memref<32x512xf32, #tpu.memory_space<hbm>>) target_semaphore(%dma_start3A_765 : memref<!tpu.dma_semaphore, #tpu.memory_space<semaphore_mem>>)
    %dma_wait3A_772 = arith.constant 1 : i32
    %dma_wait3A_773 = arith.constant 1 : i32
    %dma_wait3A_774 = arith.constant 0 : i32
    %dma_wait3A_775 = arith.constant 0 : i32
    %dma_wait3A_776 = tpu.memref_slice %arg6[%dma_wait3A_772, %dma_wait3A_774, %dma_wait3A_775] : memref<6x32x512xf32, #tpu.memory_space<vmem>> -> memref<1x32x512xf32, #tpu.memory_space<vmem>>
    %dma_wait3A_777 = tpu.memref_squeeze %dma_wait3A_776 : memref<1x32x512xf32, #tpu.memory_space<vmem>> -> memref<32x512xf32, #tpu.memory_space<vmem>>
    %dma_wait3A_778 = arith.constant 416 : i32
    %dma_wait3A_779 = tpu.memref_slice %arg5[%dma_wait3A_778] : memref<512xi32, #tpu.memory_space<vmem>> -> memref<32xi32, #tpu.memory_space<vmem>>
    %dma_wait3A_780 = arith.constant 0 : i32
    %dma_wait3A_781 = arith.constant 0 : i32
    %dma_wait3A_782 = tpu.memref_slice %arg2[%dma_wait3A_780, %dma_wait3A_781] : memref<10000x512xf32, #tpu.memory_space<hbm>> -> memref<10000x512xf32, #tpu.memory_space<hbm>>
    %dma_wait3A_783 = tpu.memref_slice %arg7[%dma_wait3A_773] : memref<6x!tpu.dma_semaphore, #tpu.memory_space<semaphore_mem>> -> memref<1x!tpu.dma_semaphore, #tpu.memory_space<semaphore_mem>>
    %dma_wait3A_784 = tpu.memref_squeeze %dma_wait3A_783 : memref<1x!tpu.dma_semaphore, #tpu.memory_space<semaphore_mem>> -> memref<!tpu.dma_semaphore, #tpu.memory_space<semaphore_mem>>
    tpu.wait_indirect_dma semaphore(%dma_wait3A_784 : memref<!tpu.dma_semaphore, #tpu.memory_space<semaphore_mem>>) src(%dma_wait3A_782 : memref<10000x512xf32, #tpu.memory_space<hbm>>) dst(%dma_wait3A_777 : memref<32x512xf32, #tpu.memory_space<vmem>>)
    %add3A_785 = arith.constant 416 : i32
    %add3A_786 = arith.addi %mul3A_2, %add3A_785 : i32
    %dma_start3A_787 = arith.constant 1 : i32
    %dma_start3A_788 = arith.constant 1 : i32
    %dma_start3A_789 = arith.constant 0 : i32
    %dma_start3A_790 = arith.constant 0 : i32
    %dma_start3A_791 = tpu.memref_slice %arg6[%dma_start3A_787, %dma_start3A_789, %dma_start3A_790] : memref<6x32x512xf32, #tpu.memory_space<vmem>> -> memref<1x32x512xf32, #tpu.memory_space<vmem>>
    %dma_start3A_792 = tpu.memref_squeeze %dma_start3A_791 : memref<1x32x512xf32, #tpu.memory_space<vmem>> -> memref<32x512xf32, #tpu.memory_space<vmem>>
    %dma_start3A_793 = arith.constant 0 : i32
    %dma_start3A_794 = tpu.memref_slice %arg4[%add3A_786, %dma_start3A_793] : memref<16384x512xf32, #tpu.memory_space<hbm>> -> memref<32x512xf32, #tpu.memory_space<hbm>>
    %dma_start3A_795 = tpu.memref_slice %arg8[%dma_start3A_788] : memref<6x!tpu.dma_semaphore, #tpu.memory_space<semaphore_mem>> -> memref<1x!tpu.dma_semaphore, #tpu.memory_space<semaphore_mem>>
    %dma_start3A_796 = tpu.memref_squeeze %dma_start3A_795 : memref<1x!tpu.dma_semaphore, #tpu.memory_space<semaphore_mem>> -> memref<!tpu.dma_semaphore, #tpu.memory_space<semaphore_mem>>
    %dma_start3A_797 = arith.constant 0 : i32
    %dma_start3A_798 = tpu.memref_slice %arg4[%add3A_786, %dma_start3A_797] : memref<16384x512xf32, #tpu.memory_space<hbm>> -> memref<32x512xf32, #tpu.memory_space<hbm>>
    %dma_start3A_799 = arith.constant 0 : i32
    %dma_start3A_800 = arith.constant 0 : i32
    %dma_start3A_801 = tpu.memref_slice %arg6[%dma_start3A_787, %dma_start3A_799, %dma_start3A_800] : memref<6x32x512xf32, #tpu.memory_space<vmem>> -> memref<1x32x512xf32, #tpu.memory_space<vmem>>
    %dma_start3A_802 = tpu.memref_squeeze %dma_start3A_801 : memref<1x32x512xf32, #tpu.memory_space<vmem>> -> memref<32x512xf32, #tpu.memory_space<vmem>>
    tpu.enqueue_dma source(%dma_start3A_802 : memref<32x512xf32, #tpu.memory_space<vmem>>) target(%dma_start3A_798 : memref<32x512xf32, #tpu.memory_space<hbm>>) target_semaphore(%dma_start3A_796 : memref<!tpu.dma_semaphore, #tpu.memory_space<semaphore_mem>>)
    %dma_wait3A_803 = arith.constant 2 : i32
    %dma_wait3A_804 = arith.constant 2 : i32
    %dma_wait3A_805 = arith.constant 0 : i32
    %dma_wait3A_806 = arith.constant 0 : i32
    %dma_wait3A_807 = tpu.memref_slice %arg6[%dma_wait3A_803, %dma_wait3A_805, %dma_wait3A_806] : memref<6x32x512xf32, #tpu.memory_space<vmem>> -> memref<1x32x512xf32, #tpu.memory_space<vmem>>
    %dma_wait3A_808 = tpu.memref_squeeze %dma_wait3A_807 : memref<1x32x512xf32, #tpu.memory_space<vmem>> -> memref<32x512xf32, #tpu.memory_space<vmem>>
    %dma_wait3A_809 = arith.constant 448 : i32
    %dma_wait3A_810 = tpu.memref_slice %arg5[%dma_wait3A_809] : memref<512xi32, #tpu.memory_space<vmem>> -> memref<32xi32, #tpu.memory_space<vmem>>
    %dma_wait3A_811 = arith.constant 0 : i32
    %dma_wait3A_812 = arith.constant 0 : i32
    %dma_wait3A_813 = tpu.memref_slice %arg2[%dma_wait3A_811, %dma_wait3A_812] : memref<10000x512xf32, #tpu.memory_space<hbm>> -> memref<10000x512xf32, #tpu.memory_space<hbm>>
    %dma_wait3A_814 = tpu.memref_slice %arg7[%dma_wait3A_804] : memref<6x!tpu.dma_semaphore, #tpu.memory_space<semaphore_mem>> -> memref<1x!tpu.dma_semaphore, #tpu.memory_space<semaphore_mem>>
    %dma_wait3A_815 = tpu.memref_squeeze %dma_wait3A_814 : memref<1x!tpu.dma_semaphore, #tpu.memory_space<semaphore_mem>> -> memref<!tpu.dma_semaphore, #tpu.memory_space<semaphore_mem>>
    tpu.wait_indirect_dma semaphore(%dma_wait3A_815 : memref<!tpu.dma_semaphore, #tpu.memory_space<semaphore_mem>>) src(%dma_wait3A_813 : memref<10000x512xf32, #tpu.memory_space<hbm>>) dst(%dma_wait3A_808 : memref<32x512xf32, #tpu.memory_space<vmem>>)
    %add3A_816 = arith.constant 448 : i32
    %add3A_817 = arith.addi %mul3A_2, %add3A_816 : i32
    %dma_start3A_818 = arith.constant 2 : i32
    %dma_start3A_819 = arith.constant 2 : i32
    %dma_start3A_820 = arith.constant 0 : i32
    %dma_start3A_821 = arith.constant 0 : i32
    %dma_start3A_822 = tpu.memref_slice %arg6[%dma_start3A_818, %dma_start3A_820, %dma_start3A_821] : memref<6x32x512xf32, #tpu.memory_space<vmem>> -> memref<1x32x512xf32, #tpu.memory_space<vmem>>
    %dma_start3A_823 = tpu.memref_squeeze %dma_start3A_822 : memref<1x32x512xf32, #tpu.memory_space<vmem>> -> memref<32x512xf32, #tpu.memory_space<vmem>>
    %dma_start3A_824 = arith.constant 0 : i32
    %dma_start3A_825 = tpu.memref_slice %arg4[%add3A_817, %dma_start3A_824] : memref<16384x512xf32, #tpu.memory_space<hbm>> -> memref<32x512xf32, #tpu.memory_space<hbm>>
    %dma_start3A_826 = tpu.memref_slice %arg8[%dma_start3A_819] : memref<6x!tpu.dma_semaphore, #tpu.memory_space<semaphore_mem>> -> memref<1x!tpu.dma_semaphore, #tpu.memory_space<semaphore_mem>>
    %dma_start3A_827 = tpu.memref_squeeze %dma_start3A_826 : memref<1x!tpu.dma_semaphore, #tpu.memory_space<semaphore_mem>> -> memref<!tpu.dma_semaphore, #tpu.memory_space<semaphore_mem>>
    %dma_start3A_828 = arith.constant 0 : i32
    %dma_start3A_829 = tpu.memref_slice %arg4[%add3A_817, %dma_start3A_828] : memref<16384x512xf32, #tpu.memory_space<hbm>> -> memref<32x512xf32, #tpu.memory_space<hbm>>
    %dma_start3A_830 = arith.constant 0 : i32
    %dma_start3A_831 = arith.constant 0 : i32
    %dma_start3A_832 = tpu.memref_slice %arg6[%dma_start3A_818, %dma_start3A_830, %dma_start3A_831] : memref<6x32x512xf32, #tpu.memory_space<vmem>> -> memref<1x32x512xf32, #tpu.memory_space<vmem>>
    %dma_start3A_833 = tpu.memref_squeeze %dma_start3A_832 : memref<1x32x512xf32, #tpu.memory_space<vmem>> -> memref<32x512xf32, #tpu.memory_space<vmem>>
    tpu.enqueue_dma source(%dma_start3A_833 : memref<32x512xf32, #tpu.memory_space<vmem>>) target(%dma_start3A_829 : memref<32x512xf32, #tpu.memory_space<hbm>>) target_semaphore(%dma_start3A_827 : memref<!tpu.dma_semaphore, #tpu.memory_space<semaphore_mem>>)
    %dma_wait3A_834 = arith.constant 3 : i32
    %dma_wait3A_835 = arith.constant 3 : i32
    %dma_wait3A_836 = arith.constant 0 : i32
    %dma_wait3A_837 = arith.constant 0 : i32
    %dma_wait3A_838 = tpu.memref_slice %arg6[%dma_wait3A_834, %dma_wait3A_836, %dma_wait3A_837] : memref<6x32x512xf32, #tpu.memory_space<vmem>> -> memref<1x32x512xf32, #tpu.memory_space<vmem>>
    %dma_wait3A_839 = tpu.memref_squeeze %dma_wait3A_838 : memref<1x32x512xf32, #tpu.memory_space<vmem>> -> memref<32x512xf32, #tpu.memory_space<vmem>>
    %dma_wait3A_840 = arith.constant 480 : i32
    %dma_wait3A_841 = tpu.memref_slice %arg5[%dma_wait3A_840] : memref<512xi32, #tpu.memory_space<vmem>> -> memref<32xi32, #tpu.memory_space<vmem>>
    %dma_wait3A_842 = arith.constant 0 : i32
    %dma_wait3A_843 = arith.constant 0 : i32
    %dma_wait3A_844 = tpu.memref_slice %arg2[%dma_wait3A_842, %dma_wait3A_843] : memref<10000x512xf32, #tpu.memory_space<hbm>> -> memref<10000x512xf32, #tpu.memory_space<hbm>>
    %dma_wait3A_845 = tpu.memref_slice %arg7[%dma_wait3A_835] : memref<6x!tpu.dma_semaphore, #tpu.memory_space<semaphore_mem>> -> memref<1x!tpu.dma_semaphore, #tpu.memory_space<semaphore_mem>>
    %dma_wait3A_846 = tpu.memref_squeeze %dma_wait3A_845 : memref<1x!tpu.dma_semaphore, #tpu.memory_space<semaphore_mem>> -> memref<!tpu.dma_semaphore, #tpu.memory_space<semaphore_mem>>
    tpu.wait_indirect_dma semaphore(%dma_wait3A_846 : memref<!tpu.dma_semaphore, #tpu.memory_space<semaphore_mem>>) src(%dma_wait3A_844 : memref<10000x512xf32, #tpu.memory_space<hbm>>) dst(%dma_wait3A_839 : memref<32x512xf32, #tpu.memory_space<vmem>>)
    %add3A_847 = arith.constant 480 : i32
    %add3A_848 = arith.addi %mul3A_2, %add3A_847 : i32
    %dma_start3A_849 = arith.constant 3 : i32
    %dma_start3A_850 = arith.constant 3 : i32
    %dma_start3A_851 = arith.constant 0 : i32
    %dma_start3A_852 = arith.constant 0 : i32
    %dma_start3A_853 = tpu.memref_slice %arg6[%dma_start3A_849, %dma_start3A_851, %dma_start3A_852] : memref<6x32x512xf32, #tpu.memory_space<vmem>> -> memref<1x32x512xf32, #tpu.memory_space<vmem>>
    %dma_start3A_854 = tpu.memref_squeeze %dma_start3A_853 : memref<1x32x512xf32, #tpu.memory_space<vmem>> -> memref<32x512xf32, #tpu.memory_space<vmem>>
    %dma_start3A_855 = arith.constant 0 : i32
    %dma_start3A_856 = tpu.memref_slice %arg4[%add3A_848, %dma_start3A_855] : memref<16384x512xf32, #tpu.memory_space<hbm>> -> memref<32x512xf32, #tpu.memory_space<hbm>>
    %dma_start3A_857 = tpu.memref_slice %arg8[%dma_start3A_850] : memref<6x!tpu.dma_semaphore, #tpu.memory_space<semaphore_mem>> -> memref<1x!tpu.dma_semaphore, #tpu.memory_space<semaphore_mem>>
    %dma_start3A_858 = tpu.memref_squeeze %dma_start3A_857 : memref<1x!tpu.dma_semaphore, #tpu.memory_space<semaphore_mem>> -> memref<!tpu.dma_semaphore, #tpu.memory_space<semaphore_mem>>
    %dma_start3A_859 = arith.constant 0 : i32
    %dma_start3A_860 = tpu.memref_slice %arg4[%add3A_848, %dma_start3A_859] : memref<16384x512xf32, #tpu.memory_space<hbm>> -> memref<32x512xf32, #tpu.memory_space<hbm>>
    %dma_start3A_861 = arith.constant 0 : i32
    %dma_start3A_862 = arith.constant 0 : i32
    %dma_start3A_863 = tpu.memref_slice %arg6[%dma_start3A_849, %dma_start3A_861, %dma_start3A_862] : memref<6x32x512xf32, #tpu.memory_space<vmem>> -> memref<1x32x512xf32, #tpu.memory_space<vmem>>
    %dma_start3A_864 = tpu.memref_squeeze %dma_start3A_863 : memref<1x32x512xf32, #tpu.memory_space<vmem>> -> memref<32x512xf32, #tpu.memory_space<vmem>>
    tpu.enqueue_dma source(%dma_start3A_864 : memref<32x512xf32, #tpu.memory_space<vmem>>) target(%dma_start3A_860 : memref<32x512xf32, #tpu.memory_space<hbm>>) target_semaphore(%dma_start3A_858 : memref<!tpu.dma_semaphore, #tpu.memory_space<semaphore_mem>>)
    %dma_wait3A_865 = arith.constant 4 : i32
    %dma_wait3A_866 = arith.constant 4 : i32
    %dma_wait3A_867 = arith.constant 0 : i32
    %dma_wait3A_868 = arith.constant 0 : i32
    %dma_wait3A_869 = tpu.memref_slice %arg6[%dma_wait3A_865, %dma_wait3A_867, %dma_wait3A_868] : memref<6x32x512xf32, #tpu.memory_space<vmem>> -> memref<1x32x512xf32, #tpu.memory_space<vmem>>
    %dma_wait3A_870 = tpu.memref_squeeze %dma_wait3A_869 : memref<1x32x512xf32, #tpu.memory_space<vmem>> -> memref<32x512xf32, #tpu.memory_space<vmem>>
    %dma_wait3A_871 = arith.constant 0 : i32
    %dma_wait3A_872 = tpu.memref_slice %arg4[%add3A_693, %dma_wait3A_871] : memref<16384x512xf32, #tpu.memory_space<hbm>> -> memref<32x512xf32, #tpu.memory_space<hbm>>
    %dma_wait3A_873 = tpu.memref_slice %arg8[%dma_wait3A_866] : memref<6x!tpu.dma_semaphore, #tpu.memory_space<semaphore_mem>> -> memref<1x!tpu.dma_semaphore, #tpu.memory_space<semaphore_mem>>
    %dma_wait3A_874 = tpu.memref_squeeze %dma_wait3A_873 : memref<1x!tpu.dma_semaphore, #tpu.memory_space<semaphore_mem>> -> memref<!tpu.dma_semaphore, #tpu.memory_space<semaphore_mem>>
    %dma_wait3A_875 = arith.constant 0 : i32
    %dma_wait3A_876 = tpu.memref_slice %arg4[%add3A_693, %dma_wait3A_875] : memref<16384x512xf32, #tpu.memory_space<hbm>> -> memref<32x512xf32, #tpu.memory_space<hbm>>
    %dma_wait3A_877 = arith.constant 0 : i32
    %dma_wait3A_878 = arith.constant 0 : i32
    %dma_wait3A_879 = tpu.memref_slice %arg6[%dma_wait3A_865, %dma_wait3A_877, %dma_wait3A_878] : memref<6x32x512xf32, #tpu.memory_space<vmem>> -> memref<1x32x512xf32, #tpu.memory_space<vmem>>
    %dma_wait3A_880 = tpu.memref_squeeze %dma_wait3A_879 : memref<1x32x512xf32, #tpu.memory_space<vmem>> -> memref<32x512xf32, #tpu.memory_space<vmem>>
    tpu.wait_dma2 semaphore(%dma_wait3A_874 : memref<!tpu.dma_semaphore, #tpu.memory_space<semaphore_mem>>) src(%dma_wait3A_880 : memref<32x512xf32, #tpu.memory_space<vmem>>) dst(%dma_wait3A_876 : memref<32x512xf32, #tpu.memory_space<hbm>>)
    %dma_wait3A_881 = arith.constant 5 : i32
    %dma_wait3A_882 = arith.constant 5 : i32
    %dma_wait3A_883 = arith.constant 0 : i32
    %dma_wait3A_884 = arith.constant 0 : i32
    %dma_wait3A_885 = tpu.memref_slice %arg6[%dma_wait3A_881, %dma_wait3A_883, %dma_wait3A_884] : memref<6x32x512xf32, #tpu.memory_space<vmem>> -> memref<1x32x512xf32, #tpu.memory_space<vmem>>
    %dma_wait3A_886 = tpu.memref_squeeze %dma_wait3A_885 : memref<1x32x512xf32, #tpu.memory_space<vmem>> -> memref<32x512xf32, #tpu.memory_space<vmem>>
    %dma_wait3A_887 = arith.constant 0 : i32
    %dma_wait3A_888 = tpu.memref_slice %arg4[%add3A_724, %dma_wait3A_887] : memref<16384x512xf32, #tpu.memory_space<hbm>> -> memref<32x512xf32, #tpu.memory_space<hbm>>
    %dma_wait3A_889 = tpu.memref_slice %arg8[%dma_wait3A_882] : memref<6x!tpu.dma_semaphore, #tpu.memory_space<semaphore_mem>> -> memref<1x!tpu.dma_semaphore, #tpu.memory_space<semaphore_mem>>
    %dma_wait3A_890 = tpu.memref_squeeze %dma_wait3A_889 : memref<1x!tpu.dma_semaphore, #tpu.memory_space<semaphore_mem>> -> memref<!tpu.dma_semaphore, #tpu.memory_space<semaphore_mem>>
    %dma_wait3A_891 = arith.constant 0 : i32
    %dma_wait3A_892 = tpu.memref_slice %arg4[%add3A_724, %dma_wait3A_891] : memref<16384x512xf32, #tpu.memory_space<hbm>> -> memref<32x512xf32, #tpu.memory_space<hbm>>
    %dma_wait3A_893 = arith.constant 0 : i32
    %dma_wait3A_894 = arith.constant 0 : i32
    %dma_wait3A_895 = tpu.memref_slice %arg6[%dma_wait3A_881, %dma_wait3A_893, %dma_wait3A_894] : memref<6x32x512xf32, #tpu.memory_space<vmem>> -> memref<1x32x512xf32, #tpu.memory_space<vmem>>
    %dma_wait3A_896 = tpu.memref_squeeze %dma_wait3A_895 : memref<1x32x512xf32, #tpu.memory_space<vmem>> -> memref<32x512xf32, #tpu.memory_space<vmem>>
    tpu.wait_dma2 semaphore(%dma_wait3A_890 : memref<!tpu.dma_semaphore, #tpu.memory_space<semaphore_mem>>) src(%dma_wait3A_896 : memref<32x512xf32, #tpu.memory_space<vmem>>) dst(%dma_wait3A_892 : memref<32x512xf32, #tpu.memory_space<hbm>>)
    %dma_wait3A_897 = arith.constant 0 : i32
    %dma_wait3A_898 = arith.constant 0 : i32
    %dma_wait3A_899 = arith.constant 0 : i32
    %dma_wait3A_900 = arith.constant 0 : i32
    %dma_wait3A_901 = tpu.memref_slice %arg6[%dma_wait3A_897, %dma_wait3A_899, %dma_wait3A_900] : memref<6x32x512xf32, #tpu.memory_space<vmem>> -> memref<1x32x512xf32, #tpu.memory_space<vmem>>
    %dma_wait3A_902 = tpu.memref_squeeze %dma_wait3A_901 : memref<1x32x512xf32, #tpu.memory_space<vmem>> -> memref<32x512xf32, #tpu.memory_space<vmem>>
    %dma_wait3A_903 = arith.constant 0 : i32
    %dma_wait3A_904 = tpu.memref_slice %arg4[%add3A_755, %dma_wait3A_903] : memref<16384x512xf32, #tpu.memory_space<hbm>> -> memref<32x512xf32, #tpu.memory_space<hbm>>
    %dma_wait3A_905 = tpu.memref_slice %arg8[%dma_wait3A_898] : memref<6x!tpu.dma_semaphore, #tpu.memory_space<semaphore_mem>> -> memref<1x!tpu.dma_semaphore, #tpu.memory_space<semaphore_mem>>
    %dma_wait3A_906 = tpu.memref_squeeze %dma_wait3A_905 : memref<1x!tpu.dma_semaphore, #tpu.memory_space<semaphore_mem>> -> memref<!tpu.dma_semaphore, #tpu.memory_space<semaphore_mem>>
    %dma_wait3A_907 = arith.constant 0 : i32
    %dma_wait3A_908 = tpu.memref_slice %arg4[%add3A_755, %dma_wait3A_907] : memref<16384x512xf32, #tpu.memory_space<hbm>> -> memref<32x512xf32, #tpu.memory_space<hbm>>
    %dma_wait3A_909 = arith.constant 0 : i32
    %dma_wait3A_910 = arith.constant 0 : i32
    %dma_wait3A_911 = tpu.memref_slice %arg6[%dma_wait3A_897, %dma_wait3A_909, %dma_wait3A_910] : memref<6x32x512xf32, #tpu.memory_space<vmem>> -> memref<1x32x512xf32, #tpu.memory_space<vmem>>
    %dma_wait3A_912 = tpu.memref_squeeze %dma_wait3A_911 : memref<1x32x512xf32, #tpu.memory_space<vmem>> -> memref<32x512xf32, #tpu.memory_space<vmem>>
    tpu.wait_dma2 semaphore(%dma_wait3A_906 : memref<!tpu.dma_semaphore, #tpu.memory_space<semaphore_mem>>) src(%dma_wait3A_912 : memref<32x512xf32, #tpu.memory_space<vmem>>) dst(%dma_wait3A_908 : memref<32x512xf32, #tpu.memory_space<hbm>>)
    %dma_wait3A_913 = arith.constant 1 : i32
    %dma_wait3A_914 = arith.constant 1 : i32
    %dma_wait3A_915 = arith.constant 0 : i32
    %dma_wait3A_916 = arith.constant 0 : i32
    %dma_wait3A_917 = tpu.memref_slice %arg6[%dma_wait3A_913, %dma_wait3A_915, %dma_wait3A_916] : memref<6x32x512xf32, #tpu.memory_space<vmem>> -> memref<1x32x512xf32, #tpu.memory_space<vmem>>
    %dma_wait3A_918 = tpu.memref_squeeze %dma_wait3A_917 : memref<1x32x512xf32, #tpu.memory_space<vmem>> -> memref<32x512xf32, #tpu.memory_space<vmem>>
    %dma_wait3A_919 = arith.constant 0 : i32
    %dma_wait3A_920 = tpu.memref_slice %arg4[%add3A_786, %dma_wait3A_919] : memref<16384x512xf32, #tpu.memory_space<hbm>> -> memref<32x512xf32, #tpu.memory_space<hbm>>
    %dma_wait3A_921 = tpu.memref_slice %arg8[%dma_wait3A_914] : memref<6x!tpu.dma_semaphore, #tpu.memory_space<semaphore_mem>> -> memref<1x!tpu.dma_semaphore, #tpu.memory_space<semaphore_mem>>
    %dma_wait3A_922 = tpu.memref_squeeze %dma_wait3A_921 : memref<1x!tpu.dma_semaphore, #tpu.memory_space<semaphore_mem>> -> memref<!tpu.dma_semaphore, #tpu.memory_space<semaphore_mem>>
    %dma_wait3A_923 = arith.constant 0 : i32
    %dma_wait3A_924 = tpu.memref_slice %arg4[%add3A_786, %dma_wait3A_923] : memref<16384x512xf32, #tpu.memory_space<hbm>> -> memref<32x512xf32, #tpu.memory_space<hbm>>
    %dma_wait3A_925 = arith.constant 0 : i32
    %dma_wait3A_926 = arith.constant 0 : i32
    %dma_wait3A_927 = tpu.memref_slice %arg6[%dma_wait3A_913, %dma_wait3A_925, %dma_wait3A_926] : memref<6x32x512xf32, #tpu.memory_space<vmem>> -> memref<1x32x512xf32, #tpu.memory_space<vmem>>
    %dma_wait3A_928 = tpu.memref_squeeze %dma_wait3A_927 : memref<1x32x512xf32, #tpu.memory_space<vmem>> -> memref<32x512xf32, #tpu.memory_space<vmem>>
    tpu.wait_dma2 semaphore(%dma_wait3A_922 : memref<!tpu.dma_semaphore, #tpu.memory_space<semaphore_mem>>) src(%dma_wait3A_928 : memref<32x512xf32, #tpu.memory_space<vmem>>) dst(%dma_wait3A_924 : memref<32x512xf32, #tpu.memory_space<hbm>>)
    %dma_wait3A_929 = arith.constant 2 : i32
    %dma_wait3A_930 = arith.constant 2 : i32
    %dma_wait3A_931 = arith.constant 0 : i32
    %dma_wait3A_932 = arith.constant 0 : i32
    %dma_wait3A_933 = tpu.memref_slice %arg6[%dma_wait3A_929, %dma_wait3A_931, %dma_wait3A_932] : memref<6x32x512xf32, #tpu.memory_space<vmem>> -> memref<1x32x512xf32, #tpu.memory_space<vmem>>
    %dma_wait3A_934 = tpu.memref_squeeze %dma_wait3A_933 : memref<1x32x512xf32, #tpu.memory_space<vmem>> -> memref<32x512xf32, #tpu.memory_space<vmem>>
    %dma_wait3A_935 = arith.constant 0 : i32
    %dma_wait3A_936 = tpu.memref_slice %arg4[%add3A_817, %dma_wait3A_935] : memref<16384x512xf32, #tpu.memory_space<hbm>> -> memref<32x512xf32, #tpu.memory_space<hbm>>
    %dma_wait3A_937 = tpu.memref_slice %arg8[%dma_wait3A_930] : memref<6x!tpu.dma_semaphore, #tpu.memory_space<semaphore_mem>> -> memref<1x!tpu.dma_semaphore, #tpu.memory_space<semaphore_mem>>
    %dma_wait3A_938 = tpu.memref_squeeze %dma_wait3A_937 : memref<1x!tpu.dma_semaphore, #tpu.memory_space<semaphore_mem>> -> memref<!tpu.dma_semaphore, #tpu.memory_space<semaphore_mem>>
    %dma_wait3A_939 = arith.constant 0 : i32
    %dma_wait3A_940 = tpu.memref_slice %arg4[%add3A_817, %dma_wait3A_939] : memref<16384x512xf32, #tpu.memory_space<hbm>> -> memref<32x512xf32, #tpu.memory_space<hbm>>
    %dma_wait3A_941 = arith.constant 0 : i32
    %dma_wait3A_942 = arith.constant 0 : i32
    %dma_wait3A_943 = tpu.memref_slice %arg6[%dma_wait3A_929, %dma_wait3A_941, %dma_wait3A_942] : memref<6x32x512xf32, #tpu.memory_space<vmem>> -> memref<1x32x512xf32, #tpu.memory_space<vmem>>
    %dma_wait3A_944 = tpu.memref_squeeze %dma_wait3A_943 : memref<1x32x512xf32, #tpu.memory_space<vmem>> -> memref<32x512xf32, #tpu.memory_space<vmem>>
    tpu.wait_dma2 semaphore(%dma_wait3A_938 : memref<!tpu.dma_semaphore, #tpu.memory_space<semaphore_mem>>) src(%dma_wait3A_944 : memref<32x512xf32, #tpu.memory_space<vmem>>) dst(%dma_wait3A_940 : memref<32x512xf32, #tpu.memory_space<hbm>>)
    %dma_wait3A_945 = arith.constant 3 : i32
    %dma_wait3A_946 = arith.constant 3 : i32
    %dma_wait3A_947 = arith.constant 0 : i32
    %dma_wait3A_948 = arith.constant 0 : i32
    %dma_wait3A_949 = tpu.memref_slice %arg6[%dma_wait3A_945, %dma_wait3A_947, %dma_wait3A_948] : memref<6x32x512xf32, #tpu.memory_space<vmem>> -> memref<1x32x512xf32, #tpu.memory_space<vmem>>
    %dma_wait3A_950 = tpu.memref_squeeze %dma_wait3A_949 : memref<1x32x512xf32, #tpu.memory_space<vmem>> -> memref<32x512xf32, #tpu.memory_space<vmem>>
    %dma_wait3A_951 = arith.constant 0 : i32
    %dma_wait3A_952 = tpu.memref_slice %arg4[%add3A_848, %dma_wait3A_951] : memref<16384x512xf32, #tpu.memory_space<hbm>> -> memref<32x512xf32, #tpu.memory_space<hbm>>
    %dma_wait3A_953 = tpu.memref_slice %arg8[%dma_wait3A_946] : memref<6x!tpu.dma_semaphore, #tpu.memory_space<semaphore_mem>> -> memref<1x!tpu.dma_semaphore, #tpu.memory_space<semaphore_mem>>
    %dma_wait3A_954 = tpu.memref_squeeze %dma_wait3A_953 : memref<1x!tpu.dma_semaphore, #tpu.memory_space<semaphore_mem>> -> memref<!tpu.dma_semaphore, #tpu.memory_space<semaphore_mem>>
    %dma_wait3A_955 = arith.constant 0 : i32
    %dma_wait3A_956 = tpu.memref_slice %arg4[%add3A_848, %dma_wait3A_955] : memref<16384x512xf32, #tpu.memory_space<hbm>> -> memref<32x512xf32, #tpu.memory_space<hbm>>
    %dma_wait3A_957 = arith.constant 0 : i32
    %dma_wait3A_958 = arith.constant 0 : i32
    %dma_wait3A_959 = tpu.memref_slice %arg6[%dma_wait3A_945, %dma_wait3A_957, %dma_wait3A_958] : memref<6x32x512xf32, #tpu.memory_space<vmem>> -> memref<1x32x512xf32, #tpu.memory_space<vmem>>
    %dma_wait3A_960 = tpu.memref_squeeze %dma_wait3A_959 : memref<1x32x512xf32, #tpu.memory_space<vmem>> -> memref<32x512xf32, #tpu.memory_space<vmem>>
    tpu.wait_dma2 semaphore(%dma_wait3A_954 : memref<!tpu.dma_semaphore, #tpu.memory_space<semaphore_mem>>) src(%dma_wait3A_960 : memref<32x512xf32, #tpu.memory_space<vmem>>) dst(%dma_wait3A_956 : memref<32x512xf32, #tpu.memory_space<hbm>>)
    return
  }
}

</mosaic_0001>

<sc_bundles>
// kernel: kernel.3.cloned.1.call-start
scs
__scs_entry_jumppad:
0x0: {  	(pc) =	sbr.rel $0x88, $3  }
0x1: {  	(tag) =	ssettag $0x0;
	lr =	simm.s32 $0x1  }
0x2: {  	[smem:$0x3F9F] =	sst lr;
	_ =	strace $0xD0000000  }
0x3: {  	_ = 	snop  }
0x4: {  	_ = 	snop  }
0x5: {  	_ = 	snop  }
0x6: {  	_ = 	snop  }
0x7: {  	_ = 	snop  }
__scs_overlays_trampoline_lowered:
0x8: {  	[smem:$0x3FAE] =	sst s0  }
0x9: {  	[smem:$0x3FAF] =	sst s1  }
0xa: {  	[smem:$0x3FB0] =	sst s2  }
0xb: {  	[smem:$0x3FB1] =	sst s3  }
0xc: {  	[smem:$0x3FB2] =	sst s4  }
0xd: {  	[smem:$0x3FB3] =	sst s5  }
0xe: {  	[smem:$0x3FB4] =	sst s6  }
0xf: {  	[smem:$0x3FB5] =	sst s7  }
0x10: {  	[smem:$0x3FB6] =	sst s8  }
0x11: {  	[smem:$0x3FB7] =	sst s9;
	s0 =	simm.s32 @!p0 $0x0  }
0x12: {  	s1 =	sld [smem:$0x3F9D];
	s0 =	simm.s32 @p0 $0x1  }
0x13: {  	[smem:$0x3FB8] =	sst s0;
	s0 =	simm.s32 @!p1 $0x0  }
0x14: {  	s2 =	sld [smem:$0x3F9C];
	s0 =	simm.s32 @p1 $0x1  }
0x15: {  	[smem:$0x3FB9] =	sst s0;
	s0 =	simm.s32 @!p2 $0x0  }
0x16: {  	s3 =	sld [smem:$0x3FDB];
	s0 =	simm.s32 @p2 $0x1  }
0x17: {  	s4 =	simm.s32 $0x1BF5;
	[smem:$0x3FBB] =	sst s0  }
0x18: {  	s0 =	sld [smem:$0x3F9E];
	_ =	swait.ge [sflag:s4], $0x0  }
0x19: {  	s7 =	sld [smem:$0x3F9F]  }
0x1a: {  	s8 =	sadd.s32 $0xFFFFE003, lr  }
0x1b: {  	s9 =	sadd.s32 $0xFFFFFEF7, lr;
	s5 =	simm.s32 $0xFFFFFFFF;
	p2 =	slt.u32 s8, $0xFFFFF086  }
0x1c: {  	p1 =	slt.u32 s9, $0xF7A;
	s5 =	simm.s32 @!p2 $0x0  }
0x1d: {  	s5 =	simm.s32 @p1 $0x1;
	p0 =	seq.s32 s7, s2  }
0x1e: {  	s7 =	smul.u32 @!p0 $0xF7A, s2;
	p2 =	seq.s32 @!p0 s5, $0x0  }
0x1f: {  	s9 =	smul.u32 $0xF7A, s1;
	s8 =	simm.s32 @!p0 $0x1BF5;
	p2 =	por !p2, p0  }
0x20: {  	[sflag:s8] =	ssyncset.s32 @!p0 $0xFFFFF086;
	s6 =	sadd.s32 @!p0 s3, s7;
	s7 =	simm.s32 @!p0 $0x108  }
0x21: {  	s3 =	sadd.s32 s3, s9;
	s6 =	sadd.s32 @!p0 $0x88, s6;
	s7 =	simm.s32 @p2 $0x1082  }
0x22: {  	[simem:s7], [sflag:s8] =	dma.local @!p0 [hbm:s6], $0xF7A  }
0x23: {  	s9 =	sor.u32 $0xD0000000, s2;
	s6 =	simm.s32 $0x108;
	_ =	swait.ge @!p0 [sflag:s8], $0x0  }
0x24: {  	s3 =	sadd.s32 $0x88, s3;
	s6 =	simm.s32 @!p1 $0x1082;
	[sflag:s4] =	ssyncset.s32 $0xFFFFF086  }
0x25: {  	[simem:s6], [sflag:s4] =	dma.local [hbm:s3], $0xF7A  }
0x26: {  	[smem:$0x3F9F] =	sst s1;
	(tag) =	ssettag s2;
	_ =	strace s9  }
0x27: {  	s1 =	sld [smem:$0x3FAF]  }
0x28: {  	s2 =	sld [smem:$0x3FB0]  }
0x29: {  	s4 =	sld [smem:$0x3FB2]  }
0x2a: {  	p0 =	seq.s32 s5, $0x0;
	s5 =	sld [smem:$0x3FB3]  }
0x2b: {  	s6 =	sld [smem:$0x3FB4]  }
0x2c: {  	s7 =	sld [smem:$0x3FB5]  }
0x2d: {  	s3 =	simm.s32 $0x108;
	s8 =	sld [smem:$0x3FB6]  }
0x2e: {  	s3 =	simm.s32 @!p0 $0x1082;
	s9 =	sld [smem:$0x3FB7]  }
0x2f: {  	lr =	sadd.s32 s0, s3;
	s0 =	sld [smem:$0x3FAE]  }
0x30: {  	s3 =	sld [smem:$0x3FB1]  }
0x31: {  	[smem:$0x3FBA] =	sst s10  }
0x32: {  	s10 =	sld [smem:$0x3FB8];
	_ =	sdelay $0x3  }
0x33: {  	p0 =	seq.s32 s10, $0x1;
	s10 =	sld [smem:$0x3FBA];
	_ =	sdelay $0x3  }
0x34: {  	[smem:$0x3FBA] =	sst s10  }
0x35: {  	s10 =	sld [smem:$0x3FB9];
	_ =	sdelay $0x3  }
0x36: {  	p1 =	seq.s32 s10, $0x1;
	s10 =	sld [smem:$0x3FBA];
	_ =	sdelay $0x3  }
0x37: {  	[smem:$0x3FBA] =	sst s10  }
0x38: {  	s10 =	sld [smem:$0x3FBB]  }
0x39: {  	_ = 	snop;
	(pc) =	sbr.ind lr, $3  }
0x3a: {  	_ = 	snop  }
0x3b: {  	_ = 	snop  }
0x3c: {  	p2 =	seq.s32 s10, $0x1;
	s10 =	sld [smem:$0x3FBA]  }
0x3d: {  	_ =	shalt  }
0x3e: {  	_ =	shalt  }
0x3f: {  	_ =	shalt  }
0x40: {  	_ =	shalt  }
0x41: {  	_ =	shalt  }
0x42: {  	_ =	shalt  }
0x43: {  	_ =	shalt  }
0x44: {  	_ =	shalt  }
0x45: {  	_ =	shalt  }
0x46: {  	_ =	shalt  }
0x47: {  	_ =	shalt  }
0x48: {  	_ =	shalt  }
0x49: {  	_ =	shalt  }
0x4a: {  	_ =	shalt  }
0x4b: {  	_ =	shalt  }
0x4c: {  	_ =	shalt  }
0x4d: {  	_ =	shalt  }
0x4e: {  	_ =	shalt  }
0x4f: {  	_ =	shalt  }
0x50: {  	_ =	shalt  }
0x51: {  	_ =	shalt  }
0x52: {  	_ =	shalt  }
0x53: {  	_ =	shalt  }
0x54: {  	_ =	shalt  }
0x55: {  	_ =	shalt  }
0x56: {  	_ =	shalt  }
0x57: {  	_ =	shalt  }
0x58: {  	_ =	shalt  }
0x59: {  	_ =	shalt  }
0x5a: {  	_ =	shalt  }
0x5b: {  	_ =	shalt  }
0x5c: {  	_ =	shalt  }
0x5d: {  	_ =	shalt  }
0x5e: {  	_ =	shalt  }
0x5f: {  	_ =	shalt  }
0x60: {  	_ =	shalt  }
0x61: {  	_ =	shalt  }
0x62: {  	_ =	shalt  }
0x63: {  	_ =	shalt  }
0x64: {  	_ =	shalt  }
0x65: {  	_ =	shalt  }
0x66: {  	_ =	shalt  }
0x67: {  	_ =	shalt  }
0x68: {  	_ =	shalt  }
0x69: {  	_ =	shalt  }
0x6a: {  	_ =	shalt  }
0x6b: {  	_ =	shalt  }
0x6c: {  	_ =	shalt  }
0x6d: {  	_ =	shalt  }
0x6e: {  	_ =	shalt  }
0x6f: {  	_ =	shalt  }
0x70: {  	_ =	shalt  }
0x71: {  	_ =	shalt  }
0x72: {  	_ =	shalt  }
0x73: {  	_ =	shalt  }
0x74: {  	_ =	shalt  }
0x75: {  	_ =	shalt  }
0x76: {  	_ =	shalt  }
0x77: {  	_ =	shalt  }
0x78: {  	_ =	shalt  }
0x79: {  	_ =	shalt  }
0x7a: {  	_ =	shalt  }
0x7b: {  	_ =	shalt  }
0x7c: {  	_ =	shalt  }
0x7d: {  	_ =	shalt  }
0x7e: {  	_ =	shalt  }
0x7f: {  	_ =	shalt  }
0x80: {  	_ =	shalt  }
0x81: {  	_ =	shalt  }
0x82: {  	_ =	shalt  }
0x83: {  	_ =	shalt  }
0x84: {  	_ =	shalt  }
0x85: {  	_ =	shalt  }
0x86: {  	_ =	shalt  }
0x87: {  	_ =	shalt  }
.Lfunc_end0:
.L_simem_size_0:
called_computation_lowered:
.L_overlay_start_0:
0x88: {  	s2 =	sld [smem:$0x3FD9]  }
0x89: {  	s3 =	sld [smem:$0x3FFE];
	_ =	sdelay $0x1  }
0x8a: {  	s1 =	srdreg.scid  }
0x8b: {  	s0 =	sand.u32 $0x1, s1  }
0x8c: {  	s18 =	sshll.u32 s0, $0xA;
	s2 =	sadd.s32 s3, s2  }
0x8d: {  	s2 =	sadd.s32 s2, s18  }
0x8e: {  	[smem:$0x3FC6] =	sst s2  }
0x8f: {  	_ = 	snop  }
0x90: {  	s2 =	sld [smem:$0x3FC9]  }
0x91: {  	s19 =	sld [smem:$0x3FC8]  }
0x92: {  	s4 =	sld [smem:$0x3FD0];
	(tm) =	ssettm $0x1  }
0x93: {  	s5 =	sld [smem:$0x3FFB];
	_ =	sdelay $0x3  }
0x94: {  	_ =	strace s5  }
0x95: {  	s5 =	sld [smem:$0x3FFC];
	_ =	sdelay $0x3  }
0x96: {  	_ =	strace s5  }
0x97: {  	s5 =	sld [smem:$0x3FFD];
	_ =	sdelay $0x3  }
0x98: {  	_ =	strace s5  }
0x99: {  	_ =	strace $0x8FFFFFFF  }
0x9a: {  	s20 =	sld [smem:$0x3FDB];
	_ =	sdelay $0x1  }
0x9b: {  	s6 =	simm.s32 $_scs_section_size  }
0x9c: {  	s7 =	simm.s32 $_size__tile_overlayer_lowered;
	s8 =	simm.s32 $_tile_overlayer_lowered  }
0x9d: {  	s23 =	simm.s32 $0x1BFF;
	s22 =	sshll.u32 s8, $0x1;
	s5 =	sadd.s32 s6, s20  }
0x9e: {  	s9 =	simm.s32 $0x0;
	s21 =	sshll.u32 s7, $0x1;
	s7 =	sadd.s32 s22, s5  }
0x9f: {  	[timem:s9], [sflag:s23] =	dma.local [hbm:s7], s21  }
0xa0: {  	_ =	swait.ge [sflag:s23], s21  }
0xa1: {  	s6 =	ssub.s32 $0x0, s21;
	[sflag:s23] =	ssyncset.done $0x0  }
0xa2: {  	[sflag:s23] =	ssyncadd.s32 s6;
	_ =	sdelay $0x1  }
0xa3: {  	s24 =	simm.s32 $0x1B8B  }
0xa4: {  	_ =	swait.ge [sflag:s24], $0x1  }
0xa5: {  	[sflag:s24] =	ssyncset.done $0x0  }
0xa6: {  	s25 =	simm.s32 $0x1B8E;
	[sflag:s24] =	ssyncadd.s32 $0xFFFFFFFF  }
0xa7: {  	s26 =	simm.s32 $execute0_lowered;
	[smem:$0x3FD2] =	sst s25  }
0xa8: {  	s6 =	sshll.u32 s26, $0x1;
	_ =	strace $0x80000046;
	[dreg:$0x1] =	wrdreg $0xFFFFFFFF  }
0xa9: {  	s28 =	simm.s32 $_size_execute0_lowered;
	s5 =	sadd.s32 s5, s6;
	[dreg:$0x0] =	wrdreg $0x0  }
0xaa: {  	s6 =	sshll.u32 s28, $0x1;
	[dreg:$0x2] =	wrdreg s5  }
0xab: {  	[dreg:$0x3] =	wrdreg s6  }
0xac: {  	[dreg:$0x4] =	wrdreg $0xC0  }
0xad: {  	_ =	task [dreg:s9], $0x5FFFF  }
0xae: {  	[dreg:$0x1] =	wrdreg $0xFFFFFFFF  }
0xaf: {  	[dreg:$0x0] =	wrdreg $0x60  }
0xb0: {  	[dreg:$0x2] =	wrdreg s19  }
0xb1: {  	[dreg:$0x3] =	wrdreg s2  }
0xb2: {  	[dreg:$0x4] =	wrdreg s4  }
0xb3: {  	[dreg:$0x5] =	wrdreg $0x9  }
0xb4: {  	_ =	task.clear_ibuf [dreg:s9], $0x6FFFF;
	_ =	strace $0x90000046  }
0xb5: {  	s29 =	simm.s32 $0x9;
	_ =	strace $0x80000048  }
0xb6: {  	_ =	swait.ge [sflag:s29], $0x1  }
0xb7: {  	[sflag:s29] =	ssyncadd.s32 $0xFFFFFFFF  }
0xb8: {  	_ =	strace $0x90000048  }
0xb9: {  	_ =	sfence  }
0xba: {  	s30 =	sld [smem:$0x0];
	_ =	sdelay $0x2  }
0xbb: {  	s31 =	sshll.u32 s1, $0xD;
	s1 =	sshrl.u32 s1, $0x2  }
0xbc: {  	s3 =	sand.u32 $0x4000, s31;
	s1 =	sadd.s32 s1, s30  }
0xbd: {  	s0 =	sor.u32 s3, s0;
	s1 =	sshll.u32 s1, $0x11  }
0xbe: {  	s0 =	sor.u32 s1, s0  }
0xbf: {  	s0 =	sadd.s32 $0x8F2B, s0  }
0xc0: {  	[sflag:s0] =	ssyncadd.remote.s32 $0x1  }
0xc1: {  	_ =	sfence.sel $0xFFFF  }
0xc2: {  	[dreg:$0x0] =	wrdreg $0xFFFFFFFF;
	(pc) =	sbr.abs _section_cstart, $3  }
0xc3: {  	[dreg:$0x1] =	wrdreg $0xFFFFFFFF  }
0xc4: {  	_ =	task.clear_ibuf [dreg:s9], $0x2FFFF;
	_ =	strace $0x9FFFFFFF  }
0xc5: {  	(tm) =	ssettm $0x7FFFFFFF  }
tec
execute0_lowered:
.L_overlay_start_1:
0x0: {  	(tag) =	ssettag $0x1  }
0x1: {  	s0 =	srdreg.scid  }
0x2: {  	s3 =	stileid.u32;
	s0 =	sand.u32 $0x1, s0  }
0x3: {  	s1 =	rddreg [dreg:$0x0];
	s5 =	sshll.u32 s3, $0xA;
	s6 =	sshll.u32 s0, $0x9  }
0x4: {  	s2 =	rddreg [dreg:$0x1];
	s5 =	sor.u32 s6, s5  }
0x5: {  	s4 =	rddreg [dreg:$0x2];
	s3 =	simm.s32 $0x0;
	s6 =	sshrl.u32 s5, $0x3  }
0x6: {  	[smem:$0x7FF] =	sst s3;
	s5 =	sshll.u32 s5, $0x6;
	s2 =	sadd.s32 s2, s6  }
0x7: {  	_ =	strace $0x80000047;
	s11 =	sadd.s32 s4, s5;
	[dreg:$0x4] =	wrdreg s2  }
0x8: {  	s12 =	sadd.s32 $0x800, s11;
	[dreg:$0x14] =	wrdreg s11  }
0x9: {  	s13 =	sadd.s32 $0x1000, s11;
	[dreg:$0x5] =	wrdreg s12  }
0xa: {  	s14 =	sadd.s32 $0x1800, s11;
	[dreg:$0x6] =	wrdreg s13  }
0xb: {  	s15 =	sadd.s32 $0x2000, s11;
	[dreg:$0x7] =	wrdreg s14  }
0xc: {  	s16 =	sadd.s32 $0x2800, s11;
	[dreg:$0x8] =	wrdreg s15  }
0xd: {  	s28 =	simm.s32 $0x15A00;
	s17 =	sadd.s32 $0x3000, s11;
	[dreg:$0x9] =	wrdreg s16  }
0xe: {  	s29 =	simm.s32 $0x16200;
	s18 =	sadd.s32 $0x3800, s11;
	[dreg:$0xa] =	wrdreg s17  }
0xf: {  	s30 =	simm.s32 $0x16A00;
	s19 =	sadd.s32 $0x4000, s11;
	[dreg:$0xb] =	wrdreg s18  }
0x10: {  	s0 =	ssub.s32 $0x2, s0;
	s20 =	sadd.s32 $0x4800, s11;
	[dreg:$0xc] =	wrdreg s19  }
0x11: {  	s24 =	sshrl.u32 s0, $0x1;
	s21 =	sadd.s32 $0x5000, s11;
	[dreg:$0xd] =	wrdreg s20  }
0x12: {  	s0 =	ssub.s32 s0, s24;
	s22 =	sadd.s32 $0x5800, s11;
	[dreg:$0xe] =	wrdreg s21  }
0x13: {  	s24 =	simm.s32 $0x4200;
	s23 =	sadd.s32 $0x6000, s11;
	[dreg:$0xf] =	wrdreg s22  }
0x14: {  	s5 =	sadd.s32 $0x100, s1;
	s25 =	sadd.s32 $0x6800, s11;
	[dreg:$0x10] =	wrdreg s23  }
0x15: {  	s6 =	smax.u32 s0, $0x1;
	s26 =	sadd.s32 $0x7000, s11;
	[dreg:$0x11] =	wrdreg s25  }
0x16: {  	s4 =	simm.s32 $0x8200;
	s31 =	sadd.s32 $0x7800, s11;
	[dreg:$0x12] =	wrdreg s26  }
0x17: {  	s11 =	simm.s32 $0x12200;
	[dreg:$0x13] =	wrdreg s31;
	s12 =	simm.s32 $0x1  }
0x18: {  	s18 =	simm.s32 $0x7;
	s19 =	simm.s32 $0x2;
	s20 =	simm.s32 $0x8  }
0x19: {  	v2 =	vlaneseq.u32;
	s21 =	simm.s32 $0x3;
	s22 =	simm.s32 $0x9;
	s23 =	simm.s32 $0x4  }
0x1a: {  	vm0 =	vmmov $0xffff;
	v1 =	vshrl.u32 v2, $0x3;
	s25 =	simm.s32 $0xA;
	s16 =	simm.s32 $0x200;
	s26 =	simm.s32 $0xC200  }
0x1b: {  	v0 =	vand.u32 $0x7, v2;
	v2 =	vor.u32 $0x8, v2;
	v1 =	vmul.u32 $0x8, v1;
	s14 =	simm.s32 $0x11200;
	s15 =	simm.s32 $0x11A00;
	s13 =	simm.s32 $0x15200  }
.LBB2_1:
0x1c: {  	s31 =	rddreg [dreg:$0x4];
	s8 =	simm.s32 $0xD  }
0x1d: {  	[tilespmem:s3], [sflag:$0xD] =	stream.linear.gather [hbm4b:s31+s3], $0x200, $0x38;
	[tilespmem:$0x18200] =	vst v63  }
0x1e: {  	_ =	swait.ge [sflag:s8], $0x200  }
0x1f: {  	[sflag:s8] =	ssyncset.done $0x0  }
0x20: {  	[sflag:s8] =	ssyncadd.s32 $0xFFFFFE00  }
0x21: {  	v3 =	vld [tilespmem:$0x0];
	_ =	sdelay $0x4  }
0x22: {  	v4 =	vshll.u32 v3, $0x2  }
0x23: {  	v3 =	vand.u32 $0x7, v3;
	v4 =	vand.u32 $0xFFFFFFE0, v4  }
0x24: {  	v3 =	vor.u32 v3, v4  }
0x25: {  	v4 =	vperm.xlane v3, v0;
	_ =	sdelay $0x1  }
0x26: {  	v4 =	vadd.s32 v1, v4;
	_ =	sdelay $0x1  }
0x27: {  	v3 =	vperm.xlane v3, v2;
	_ =	sdelay $0x1  }
0x28: {  	v3 =	vadd.s32 v1, v3  }
0x29: {  	[tilespmem:s16], [sflag:$0x1] =	stream.indirect_vreg.gather [hbm4b:s1+s3], $0x80, v4, vm0, $0xb8;
	[tilespmem:$0x18200] =	vst v63  }
0x2a: {  	s0 =	simm.s32 $0xA00  }
0x2b: {  	[tilespmem:s0], [sflag:$0x1] =	stream.indirect_vreg.gather [hbm4b:s5+s3], $0x80, v4, vm0, $0xb8;
	[tilespmem:$0x18200] =	vst v63  }
0x2c: {  	s9 =	simm.s32 $0x1200  }
0x2d: {  	[tilespmem:s9], [sflag:$0x1] =	stream.indirect_vreg.gather [hbm4b:s1+s3], $0x80, v3, vm0, $0xb8;
	[tilespmem:$0x18200] =	vst v63  }
0x2e: {  	s10 =	simm.s32 $0x1A00  }
0x2f: {  	[tilespmem:s10], [sflag:$0x1] =	stream.indirect_vreg.gather [hbm4b:s5+s3], $0x80, v3, vm0, $0xb8;
	[tilespmem:$0x18200] =	vst v63  }
0x30: {  	v3 =	vld [tilespmem:$0x10];
	_ =	sdelay $0x4  }
0x31: {  	v33 =	vshll.u32 v3, $0x2  }
0x32: {  	v3 =	vand.u32 $0x7, v3;
	v4 =	vand.u32 $0xFFFFFFE0, v33  }
0x33: {  	v3 =	vor.u32 v3, v4  }
0x34: {  	v4 =	vperm.xlane v3, v0;
	_ =	sdelay $0x1  }
0x35: {  	v4 =	vadd.s32 v1, v4;
	_ =	sdelay $0x1  }
0x36: {  	v3 =	vperm.xlane v3, v2;
	_ =	sdelay $0x1  }
0x37: {  	s17 =	simm.s32 $0x2200;
	v3 =	vadd.s32 v1, v3  }
0x38: {  	[tilespmem:s17], [sflag:$0x1] =	stream.indirect_vreg.gather [hbm4b:s1+s3], $0x80, v4, vm0, $0xb8;
	[tilespmem:$0x18200] =	vst v63  }
0x39: {  	s31 =	simm.s32 $0x2A00  }
0x3a: {  	[tilespmem:s31], [sflag:$0x1] =	stream.indirect_vreg.gather [hbm4b:s5+s3], $0x80, v4, vm0, $0xb8;
	[tilespmem:$0x18200] =	vst v63  }
0x3b: {  	s7 =	simm.s32 $0x3200  }
0x3c: {  	[tilespmem:s7], [sflag:$0x1] =	stream.indirect_vreg.gather [hbm4b:s1+s3], $0x80, v3, vm0, $0xb8;
	[tilespmem:$0x18200] =	vst v63  }
0x3d: {  	s8 =	simm.s32 $0x3A00  }
0x3e: {  	[tilespmem:s8], [sflag:$0x1] =	stream.indirect_vreg.gather [hbm4b:s5+s3], $0x80, v3, vm0, $0xb8;
	[tilespmem:$0x18200] =	vst v63  }
0x3f: {  	v3 =	vld [tilespmem:$0x20];
	_ =	sdelay $0x4  }
0x40: {  	v34 =	vshll.u32 v3, $0x2  }
0x41: {  	v3 =	vand.u32 $0x7, v3;
	v4 =	vand.u32 $0xFFFFFFE0, v34  }
0x42: {  	v3 =	vor.u32 v3, v4  }
0x43: {  	v4 =	vperm.xlane v3, v0;
	_ =	sdelay $0x1  }
0x44: {  	v4 =	vadd.s32 v1, v4;
	_ =	sdelay $0x1  }
0x45: {  	v3 =	vperm.xlane v3, v2;
	_ =	sdelay $0x1  }
0x46: {  	v3 =	vadd.s32 v1, v3  }
0x47: {  	[tilespmem:s24], [sflag:$0x2] =	stream.indirect_vreg.gather [hbm4b:s1+s3], $0x80, v4, vm0, $0xb8;
	[tilespmem:$0x18200] =	vst v63  }
0x48: {  	s9 =	simm.s32 $0x4A00  }
0x49: {  	[tilespmem:s9], [sflag:$0x2] =	stream.indirect_vreg.gather [hbm4b:s5+s3], $0x80, v4, vm0, $0xb8;
	[tilespmem:$0x18200] =	vst v63  }
0x4a: {  	s10 =	simm.s32 $0x5200  }
0x4b: {  	[tilespmem:s10], [sflag:$0x2] =	stream.indirect_vreg.gather [hbm4b:s1+s3], $0x80, v3, vm0, $0xb8;
	[tilespmem:$0x18200] =	vst v63  }
0x4c: {  	s31 =	simm.s32 $0x5A00  }
0x4d: {  	[tilespmem:s31], [sflag:$0x2] =	stream.indirect_vreg.gather [hbm4b:s5+s3], $0x80, v3, vm0, $0xb8;
	[tilespmem:$0x18200] =	vst v63  }
0x4e: {  	v3 =	vld [tilespmem:$0x30];
	_ =	sdelay $0x4  }
0x4f: {  	v35 =	vshll.u32 v3, $0x2  }
0x50: {  	v3 =	vand.u32 $0x7, v3;
	v4 =	vand.u32 $0xFFFFFFE0, v35  }
0x51: {  	v3 =	vor.u32 v3, v4  }
0x52: {  	v4 =	vperm.xlane v3, v0;
	_ =	sdelay $0x1  }
0x53: {  	v4 =	vadd.s32 v1, v4;
	_ =	sdelay $0x1  }
0x54: {  	v3 =	vperm.xlane v3, v2;
	_ =	sdelay $0x1  }
0x55: {  	s7 =	simm.s32 $0x6200;
	v3 =	vadd.s32 v1, v3  }
0x56: {  	[tilespmem:s7], [sflag:$0x2] =	stream.indirect_vreg.gather [hbm4b:s1+s3], $0x80, v4, vm0, $0xb8;
	[tilespmem:$0x18200] =	vst v63  }
0x57: {  	s8 =	simm.s32 $0x6A00  }
0x58: {  	[tilespmem:s8], [sflag:$0x2] =	stream.indirect_vreg.gather [hbm4b:s5+s3], $0x80, v4, vm0, $0xb8;
	[tilespmem:$0x18200] =	vst v63  }
0x59: {  	s9 =	simm.s32 $0x7200  }
0x5a: {  	[tilespmem:s9], [sflag:$0x2] =	stream.indirect_vreg.gather [hbm4b:s1+s3], $0x80, v3, vm0, $0xb8;
	[tilespmem:$0x18200] =	vst v63  }
0x5b: {  	s10 =	simm.s32 $0x7A00  }
0x5c: {  	[tilespmem:s10], [sflag:$0x2] =	stream.indirect_vreg.gather [hbm4b:s5+s3], $0x80, v3, vm0, $0xb8;
	[tilespmem:$0x18200] =	vst v63  }
0x5d: {  	v3 =	vld [tilespmem:$0x40];
	_ =	sdelay $0x4  }
0x5e: {  	v36 =	vshll.u32 v3, $0x2  }
0x5f: {  	v3 =	vand.u32 $0x7, v3;
	v4 =	vand.u32 $0xFFFFFFE0, v36  }
0x60: {  	v3 =	vor.u32 v3, v4  }
0x61: {  	v4 =	vperm.xlane v3, v0;
	_ =	sdelay $0x1  }
0x62: {  	v4 =	vadd.s32 v1, v4;
	_ =	sdelay $0x1  }
0x63: {  	v3 =	vperm.xlane v3, v2;
	_ =	sdelay $0x1  }
0x64: {  	v3 =	vadd.s32 v1, v3  }
0x65: {  	[tilespmem:s4], [sflag:$0x3] =	stream.indirect_vreg.gather [hbm4b:s1+s3], $0x80, v4, vm0, $0xb8;
	[tilespmem:$0x18200] =	vst v63  }
0x66: {  	s31 =	simm.s32 $0x8A00  }
0x67: {  	[tilespmem:s31], [sflag:$0x3] =	stream.indirect_vreg.gather [hbm4b:s5+s3], $0x80, v4, vm0, $0xb8;
	[tilespmem:$0x18200] =	vst v63  }
0x68: {  	s7 =	simm.s32 $0x9200  }
0x69: {  	[tilespmem:s7], [sflag:$0x3] =	stream.indirect_vreg.gather [hbm4b:s1+s3], $0x80, v3, vm0, $0xb8;
	[tilespmem:$0x18200] =	vst v63  }
0x6a: {  	s8 =	simm.s32 $0x9A00  }
0x6b: {  	[tilespmem:s8], [sflag:$0x3] =	stream.indirect_vreg.gather [hbm4b:s5+s3], $0x80, v3, vm0, $0xb8;
	[tilespmem:$0x18200] =	vst v63  }
0x6c: {  	v3 =	vld [tilespmem:$0x50];
	_ =	sdelay $0x4  }
0x6d: {  	v37 =	vshll.u32 v3, $0x2  }
0x6e: {  	v3 =	vand.u32 $0x7, v3;
	v4 =	vand.u32 $0xFFFFFFE0, v37  }
0x6f: {  	v3 =	vor.u32 v3, v4  }
0x70: {  	v4 =	vperm.xlane v3, v0;
	_ =	sdelay $0x1  }
0x71: {  	v4 =	vadd.s32 v1, v4;
	_ =	sdelay $0x1  }
0x72: {  	v3 =	vperm.xlane v3, v2;
	_ =	sdelay $0x1  }
0x73: {  	s9 =	simm.s32 $0xA200;
	v3 =	vadd.s32 v1, v3  }
0x74: {  	[tilespmem:s9], [sflag:$0x3] =	stream.indirect_vreg.gather [hbm4b:s1+s3], $0x80, v4, vm0, $0xb8;
	[tilespmem:$0x18200] =	vst v63  }
0x75: {  	s10 =	simm.s32 $0xAA00  }
0x76: {  	[tilespmem:s10], [sflag:$0x3] =	stream.indirect_vreg.gather [hbm4b:s5+s3], $0x80, v4, vm0, $0xb8;
	[tilespmem:$0x18200] =	vst v63  }
0x77: {  	s31 =	simm.s32 $0xB200  }
0x78: {  	[tilespmem:s31], [sflag:$0x3] =	stream.indirect_vreg.gather [hbm4b:s1+s3], $0x80, v3, vm0, $0xb8;
	[tilespmem:$0x18200] =	vst v63  }
0x79: {  	s7 =	simm.s32 $0xBA00  }
0x7a: {  	[tilespmem:s7], [sflag:$0x3] =	stream.indirect_vreg.gather [hbm4b:s5+s3], $0x80, v3, vm0, $0xb8;
	[tilespmem:$0x18200] =	vst v63  }
0x7b: {  	v3 =	vld [tilespmem:$0x60];
	_ =	sdelay $0x4  }
0x7c: {  	v38 =	vshll.u32 v3, $0x2  }
0x7d: {  	v3 =	vand.u32 $0x7, v3;
	v4 =	vand.u32 $0xFFFFFFE0, v38  }
0x7e: {  	v3 =	vor.u32 v3, v4  }
0x7f: {  	v4 =	vperm.xlane v3, v0;
	_ =	sdelay $0x1  }
0x80: {  	v4 =	vadd.s32 v1, v4;
	_ =	sdelay $0x1  }
0x81: {  	v3 =	vperm.xlane v3, v2;
	_ =	sdelay $0x1  }
0x82: {  	v3 =	vadd.s32 v1, v3  }
0x83: {  	[tilespmem:s26], [sflag:$0x4] =	stream.indirect_vreg.gather [hbm4b:s1+s3], $0x80, v4, vm0, $0xb8;
	[tilespmem:$0x18200] =	vst v63  }
0x84: {  	s8 =	simm.s32 $0xCA00  }
0x85: {  	[tilespmem:s8], [sflag:$0x4] =	stream.indirect_vreg.gather [hbm4b:s5+s3], $0x80, v4, vm0, $0xb8;
	[tilespmem:$0x18200] =	vst v63  }
0x86: {  	s9 =	simm.s32 $0xD200  }
0x87: {  	[tilespmem:s9], [sflag:$0x4] =	stream.indirect_vreg.gather [hbm4b:s1+s3], $0x80, v3, vm0, $0xb8;
	[tilespmem:$0x18200] =	vst v63  }
0x88: {  	s10 =	simm.s32 $0xDA00  }
0x89: {  	[tilespmem:s10], [sflag:$0x4] =	stream.indirect_vreg.gather [hbm4b:s5+s3], $0x80, v3, vm0, $0xb8;
	[tilespmem:$0x18200] =	vst v63  }
0x8a: {  	v3 =	vld [tilespmem:$0x70];
	_ =	sdelay $0x4  }
0x8b: {  	v39 =	vshll.u32 v3, $0x2  }
0x8c: {  	v3 =	vand.u32 $0x7, v3;
	v4 =	vand.u32 $0xFFFFFFE0, v39  }
0x8d: {  	v3 =	vor.u32 v3, v4  }
0x8e: {  	v4 =	vperm.xlane v3, v0;
	_ =	sdelay $0x1  }
0x8f: {  	v4 =	vadd.s32 v1, v4;
	_ =	sdelay $0x1  }
0x90: {  	v3 =	vperm.xlane v3, v2;
	_ =	sdelay $0x1  }
0x91: {  	s31 =	simm.s32 $0xE200;
	v3 =	vadd.s32 v1, v3  }
0x92: {  	[tilespmem:s31], [sflag:$0x4] =	stream.indirect_vreg.gather [hbm4b:s1+s3], $0x80, v4, vm0, $0xb8;
	[tilespmem:$0x18200] =	vst v63  }
0x93: {  	s7 =	simm.s32 $0xEA00  }
0x94: {  	[tilespmem:s7], [sflag:$0x4] =	stream.indirect_vreg.gather [hbm4b:s5+s3], $0x80, v4, vm0, $0xb8;
	[tilespmem:$0x18200] =	vst v63  }
0x95: {  	s8 =	simm.s32 $0xF200  }
0x96: {  	[tilespmem:s8], [sflag:$0x4] =	stream.indirect_vreg.gather [hbm4b:s1+s3], $0x80, v3, vm0, $0xb8;
	[tilespmem:$0x18200] =	vst v63  }
0x97: {  	s9 =	simm.s32 $0xFA00  }
0x98: {  	[tilespmem:s9], [sflag:$0x4] =	stream.indirect_vreg.gather [hbm4b:s5+s3], $0x80, v3, vm0, $0xb8;
	[tilespmem:$0x18200] =	vst v63  }
0x99: {  	v3 =	vld [tilespmem:$0x80];
	_ =	sdelay $0x4  }
0x9a: {  	v40 =	vshll.u32 v3, $0x2  }
0x9b: {  	v3 =	vand.u32 $0x7, v3;
	v4 =	vand.u32 $0xFFFFFFE0, v40  }
0x9c: {  	v3 =	vor.u32 v3, v4  }
0x9d: {  	v4 =	vperm.xlane v3, v0;
	_ =	sdelay $0x1  }
0x9e: {  	v4 =	vadd.s32 v1, v4;
	_ =	sdelay $0x1  }
0x9f: {  	v3 =	vperm.xlane v3, v2;
	_ =	sdelay $0x1  }
0xa0: {  	s10 =	simm.s32 $0x10200;
	v3 =	vadd.s32 v1, v3  }
0xa1: {  	[tilespmem:s10], [sflag:$0x5] =	stream.indirect_vreg.gather [hbm4b:s1+s3], $0x80, v4, vm0, $0xb8;
	[tilespmem:$0x18200] =	vst v63  }
0xa2: {  	s8 =	simm.s32 $0x10A00  }
0xa3: {  	[tilespmem:s8], [sflag:$0x5] =	stream.indirect_vreg.gather [hbm4b:s5+s3], $0x80, v4, vm0, $0xb8;
	[tilespmem:$0x18200] =	vst v63  }
0xa4: {  	_ = 	snop  }
0xa5: {  	[tilespmem:s14], [sflag:$0x5] =	stream.indirect_vreg.gather [hbm4b:s1+s3], $0x80, v3, vm0, $0xb8;
	[tilespmem:$0x18200] =	vst v63  }
0xa6: {  	_ = 	snop  }
0xa7: {  	[tilespmem:s15], [sflag:$0x5] =	stream.indirect_vreg.gather [hbm4b:s5+s3], $0x80, v3, vm0, $0xb8;
	[tilespmem:$0x18200] =	vst v63  }
0xa8: {  	v3 =	vld [tilespmem:$0x90];
	_ =	sdelay $0x4  }
0xa9: {  	v41 =	vshll.u32 v3, $0x2  }
0xaa: {  	v3 =	vand.u32 $0x7, v3;
	v4 =	vand.u32 $0xFFFFFFE0, v41  }
0xab: {  	v3 =	vor.u32 v3, v4  }
0xac: {  	v4 =	vperm.xlane v3, v0;
	_ =	sdelay $0x1  }
0xad: {  	v4 =	vadd.s32 v1, v4;
	_ =	sdelay $0x1  }
0xae: {  	v3 =	vperm.xlane v3, v2;
	_ =	sdelay $0x1  }
0xaf: {  	v3 =	vadd.s32 v1, v3  }
0xb0: {  	[tilespmem:s11], [sflag:$0x5] =	stream.indirect_vreg.gather [hbm4b:s1+s3], $0x80, v4, vm0, $0xb8;
	[tilespmem:$0x18200] =	vst v63  }
0xb1: {  	s7 =	simm.s32 $0x12A00  }
0xb2: {  	[tilespmem:s7], [sflag:$0x5] =	stream.indirect_vreg.gather [hbm4b:s5+s3], $0x80, v4, vm0, $0xb8;
	[tilespmem:$0x18200] =	vst v63  }
0xb3: {  	s9 =	simm.s32 $0x13200  }
0xb4: {  	[tilespmem:s9], [sflag:$0x5] =	stream.indirect_vreg.gather [hbm4b:s1+s3], $0x80, v3, vm0, $0xb8;
	[tilespmem:$0x18200] =	vst v63  }
0xb5: {  	s10 =	simm.s32 $0x13A00  }
0xb6: {  	[tilespmem:s10], [sflag:$0x5] =	stream.indirect_vreg.gather [hbm4b:s5+s3], $0x80, v3, vm0, $0xb8;
	[tilespmem:$0x18200] =	vst v63  }
0xb7: {  	v3 =	vld [tilespmem:$0xA0];
	_ =	sdelay $0x4  }
0xb8: {  	v42 =	vshll.u32 v3, $0x2  }
0xb9: {  	v3 =	vand.u32 $0x7, v3;
	v4 =	vand.u32 $0xFFFFFFE0, v42  }
0xba: {  	v3 =	vor.u32 v3, v4  }
0xbb: {  	v4 =	vperm.xlane v3, v0;
	_ =	sdelay $0x1  }
0xbc: {  	v4 =	vadd.s32 v1, v4;
	_ =	sdelay $0x1  }
0xbd: {  	v3 =	vperm.xlane v3, v2;
	_ =	sdelay $0x1  }
0xbe: {  	s31 =	simm.s32 $0x14200;
	v3 =	vadd.s32 v1, v3  }
0xbf: {  	[tilespmem:s31], [sflag:$0x6] =	stream.indirect_vreg.gather [hbm4b:s1+s3], $0x80, v4, vm0, $0xb8;
	[tilespmem:$0x18200] =	vst v63  }
0xc0: {  	s31 =	simm.s32 $0x14A00  }
0xc1: {  	[tilespmem:s31], [sflag:$0x6] =	stream.indirect_vreg.gather [hbm4b:s5+s3], $0x80, v4, vm0, $0xb8;
	[tilespmem:$0x18200] =	vst v63  }
0xc2: {  	_ = 	snop  }
0xc3: {  	[tilespmem:s13], [sflag:$0x6] =	stream.indirect_vreg.gather [hbm4b:s1+s3], $0x80, v3, vm0, $0xb8;
	[tilespmem:$0x18200] =	vst v63  }
0xc4: {  	_ = 	snop  }
0xc5: {  	[tilespmem:s28], [sflag:$0x6] =	stream.indirect_vreg.gather [hbm4b:s5+s3], $0x80, v3, vm0, $0xb8;
	[tilespmem:$0x18200] =	vst v63  }
0xc6: {  	v3 =	vld [tilespmem:$0xB0];
	_ =	sdelay $0x4  }
0xc7: {  	v43 =	vshll.u32 v3, $0x2  }
0xc8: {  	v3 =	vand.u32 $0x7, v3;
	v4 =	vand.u32 $0xFFFFFFE0, v43  }
0xc9: {  	v3 =	vor.u32 v3, v4  }
0xca: {  	v4 =	vperm.xlane v3, v0;
	_ =	sdelay $0x1  }
0xcb: {  	v4 =	vadd.s32 v1, v4;
	_ =	sdelay $0x1  }
0xcc: {  	v3 =	vperm.xlane v3, v2;
	_ =	sdelay $0x1  }
0xcd: {  	v3 =	vadd.s32 v1, v3  }
0xce: {  	[tilespmem:s29], [sflag:$0x6] =	stream.indirect_vreg.gather [hbm4b:s1+s3], $0x80, v4, vm0, $0xb8;
	[tilespmem:$0x18200] =	vst v63  }
0xcf: {  	_ = 	snop  }
0xd0: {  	[tilespmem:s30], [sflag:$0x6] =	stream.indirect_vreg.gather [hbm4b:s5+s3], $0x80, v4, vm0, $0xb8;
	[tilespmem:$0x18200] =	vst v63  }
0xd1: {  	s31 =	simm.s32 $0x17200  }
0xd2: {  	[tilespmem:s31], [sflag:$0x6] =	stream.indirect_vreg.gather [hbm4b:s1+s3], $0x80, v3, vm0, $0xb8;
	[tilespmem:$0x18200] =	vst v63  }
0xd3: {  	s31 =	simm.s32 $0x17A00  }
0xd4: {  	[tilespmem:s31], [sflag:$0x6] =	stream.indirect_vreg.gather [hbm4b:s5+s3], $0x80, v3, vm0, $0xb8;
	[tilespmem:$0x18200] =	vst v63  }
0xd5: {  	_ =	swait.ge [sflag:s12], $0x4000  }
0xd6: {  	[sflag:s12] =	ssyncset.done $0x0  }
0xd7: {  	s0 =	rddreg [dreg:$0x14];
	[sflag:s12] =	ssyncadd.s32 $0xFFFFC000  }
0xd8: {  	[hbm4b:s0+s3] =	stream.linear.scatter [tilespmem:s16], [sflag:$0x7], $0x4000, $0x38;
	[tilespmem:$0x18200] =	vst v63  }
0xd9: {  	_ =	swait.ge [sflag:s18], $0x4000  }
0xda: {  	[sflag:s18] =	ssyncset.done $0x0  }
0xdb: {  	[sflag:s18] =	ssyncadd.s32 $0xFFFFC000  }
0xdc: {  	v3 =	vld [tilespmem:$0xC0];
	_ =	sdelay $0x4  }
0xdd: {  	v44 =	vshll.u32 v3, $0x2  }
0xde: {  	v3 =	vand.u32 $0x7, v3;
	v4 =	vand.u32 $0xFFFFFFE0, v44  }
0xdf: {  	v3 =	vor.u32 v3, v4  }
0xe0: {  	v4 =	vperm.xlane v3, v0;
	_ =	sdelay $0x1  }
0xe1: {  	v4 =	vadd.s32 v1, v4;
	_ =	sdelay $0x1  }
0xe2: {  	v3 =	vperm.xlane v3, v2;
	_ =	sdelay $0x1  }
0xe3: {  	v3 =	vadd.s32 v1, v3  }
0xe4: {  	[tilespmem:s16], [sflag:$0x1] =	stream.indirect_vreg.gather [hbm4b:s1+s3], $0x80, v4, vm0, $0xb8;
	[tilespmem:$0x18200] =	vst v63  }
0xe5: {  	s31 =	simm.s32 $0xA00  }
0xe6: {  	[tilespmem:s31], [sflag:$0x1] =	stream.indirect_vreg.gather [hbm4b:s5+s3], $0x80, v4, vm0, $0xb8;
	[tilespmem:$0x18200] =	vst v63  }
0xe7: {  	s31 =	simm.s32 $0x1200  }
0xe8: {  	[tilespmem:s31], [sflag:$0x1] =	stream.indirect_vreg.gather [hbm4b:s1+s3], $0x80, v3, vm0, $0xb8;
	[tilespmem:$0x18200] =	vst v63  }
0xe9: {  	s2 =	simm.s32 $0x1A00  }
0xea: {  	[tilespmem:s2], [sflag:$0x1] =	stream.indirect_vreg.gather [hbm4b:s5+s3], $0x80, v3, vm0, $0xb8;
	[tilespmem:$0x18200] =	vst v63  }
0xeb: {  	v3 =	vld [tilespmem:$0xD0];
	_ =	sdelay $0x4  }
0xec: {  	v45 =	vshll.u32 v3, $0x2  }
0xed: {  	v3 =	vand.u32 $0x7, v3;
	v4 =	vand.u32 $0xFFFFFFE0, v45  }
0xee: {  	v3 =	vor.u32 v3, v4  }
0xef: {  	v4 =	vperm.xlane v3, v0;
	_ =	sdelay $0x1  }
0xf0: {  	v4 =	vadd.s32 v1, v4;
	_ =	sdelay $0x1  }
0xf1: {  	v3 =	vperm.xlane v3, v2;
	_ =	sdelay $0x1  }
0xf2: {  	s2 =	simm.s32 $0x2200;
	v3 =	vadd.s32 v1, v3  }
0xf3: {  	[tilespmem:s2], [sflag:$0x1] =	stream.indirect_vreg.gather [hbm4b:s1+s3], $0x80, v4, vm0, $0xb8;
	[tilespmem:$0x18200] =	vst v63  }
0xf4: {  	s31 =	simm.s32 $0x2A00  }
0xf5: {  	[tilespmem:s31], [sflag:$0x1] =	stream.indirect_vreg.gather [hbm4b:s5+s3], $0x80, v4, vm0, $0xb8;
	[tilespmem:$0x18200] =	vst v63  }
0xf6: {  	s2 =	simm.s32 $0x3200  }
0xf7: {  	[tilespmem:s2], [sflag:$0x1] =	stream.indirect_vreg.gather [hbm4b:s1+s3], $0x80, v3, vm0, $0xb8;
	[tilespmem:$0x18200] =	vst v63  }
0xf8: {  	s17 =	simm.s32 $0x3A00  }
0xf9: {  	[tilespmem:s17], [sflag:$0x1] =	stream.indirect_vreg.gather [hbm4b:s5+s3], $0x80, v3, vm0, $0xb8;
	[tilespmem:$0x18200] =	vst v63  }
0xfa: {  	_ =	swait.ge [sflag:s19], $0x4000  }
0xfb: {  	[sflag:s19] =	ssyncset.done $0x0  }
0xfc: {  	s17 =	rddreg [dreg:$0x5];
	[sflag:s19] =	ssyncadd.s32 $0xFFFFC000  }
0xfd: {  	[hbm4b:s17+s3] =	stream.linear.scatter [tilespmem:s24], [sflag:$0x8], $0x4000, $0x38;
	[tilespmem:$0x18200] =	vst v63  }
0xfe: {  	_ =	swait.ge [sflag:s20], $0x4000  }
0xff: {  	[sflag:s20] =	ssyncset.done $0x0  }
0x100: {  	[sflag:s20] =	ssyncadd.s32 $0xFFFFC000  }
0x101: {  	v3 =	vld [tilespmem:$0xE0];
	_ =	sdelay $0x4  }
0x102: {  	v46 =	vshll.u32 v3, $0x2  }
0x103: {  	v3 =	vand.u32 $0x7, v3;
	v4 =	vand.u32 $0xFFFFFFE0, v46  }
0x104: {  	v3 =	vor.u32 v3, v4  }
0x105: {  	v4 =	vperm.xlane v3, v0;
	_ =	sdelay $0x1  }
0x106: {  	v4 =	vadd.s32 v1, v4;
	_ =	sdelay $0x1  }
0x107: {  	v3 =	vperm.xlane v3, v2;
	_ =	sdelay $0x1  }
0x108: {  	v3 =	vadd.s32 v1, v3  }
0x109: {  	[tilespmem:s24], [sflag:$0x2] =	stream.indirect_vreg.gather [hbm4b:s1+s3], $0x80, v4, vm0, $0xb8;
	[tilespmem:$0x18200] =	vst v63  }
0x10a: {  	s31 =	simm.s32 $0x4A00  }
0x10b: {  	[tilespmem:s31], [sflag:$0x2] =	stream.indirect_vreg.gather [hbm4b:s5+s3], $0x80, v4, vm0, $0xb8;
	[tilespmem:$0x18200] =	vst v63  }
0x10c: {  	s2 =	simm.s32 $0x5200  }
0x10d: {  	[tilespmem:s2], [sflag:$0x2] =	stream.indirect_vreg.gather [hbm4b:s1+s3], $0x80, v3, vm0, $0xb8;
	[tilespmem:$0x18200] =	vst v63  }
0x10e: {  	s17 =	simm.s32 $0x5A00  }
0x10f: {  	[tilespmem:s17], [sflag:$0x2] =	stream.indirect_vreg.gather [hbm4b:s5+s3], $0x80, v3, vm0, $0xb8;
	[tilespmem:$0x18200] =	vst v63  }
0x110: {  	v3 =	vld [tilespmem:$0xF0];
	_ =	sdelay $0x4  }
0x111: {  	v47 =	vshll.u32 v3, $0x2  }
0x112: {  	v3 =	vand.u32 $0x7, v3;
	v4 =	vand.u32 $0xFFFFFFE0, v47  }
0x113: {  	v3 =	vor.u32 v3, v4  }
0x114: {  	v4 =	vperm.xlane v3, v0;
	_ =	sdelay $0x1  }
0x115: {  	v4 =	vadd.s32 v1, v4;
	_ =	sdelay $0x1  }
0x116: {  	v3 =	vperm.xlane v3, v2;
	_ =	sdelay $0x1  }
0x117: {  	s31 =	simm.s32 $0x6200;
	v3 =	vadd.s32 v1, v3  }
0x118: {  	[tilespmem:s31], [sflag:$0x2] =	stream.indirect_vreg.gather [hbm4b:s1+s3], $0x80, v4, vm0, $0xb8;
	[tilespmem:$0x18200] =	vst v63  }
0x119: {  	s2 =	simm.s32 $0x6A00  }
0x11a: {  	[tilespmem:s2], [sflag:$0x2] =	stream.indirect_vreg.gather [hbm4b:s5+s3], $0x80, v4, vm0, $0xb8;
	[tilespmem:$0x18200] =	vst v63  }
0x11b: {  	s17 =	simm.s32 $0x7200  }
0x11c: {  	[tilespmem:s17], [sflag:$0x2] =	stream.indirect_vreg.gather [hbm4b:s1+s3], $0x80, v3, vm0, $0xb8;
	[tilespmem:$0x18200] =	vst v63  }
0x11d: {  	s31 =	simm.s32 $0x7A00  }
0x11e: {  	[tilespmem:s31], [sflag:$0x2] =	stream.indirect_vreg.gather [hbm4b:s5+s3], $0x80, v3, vm0, $0xb8;
	[tilespmem:$0x18200] =	vst v63  }
0x11f: {  	_ =	swait.ge [sflag:s21], $0x4000  }
0x120: {  	[sflag:s21] =	ssyncset.done $0x0  }
0x121: {  	s0 =	rddreg [dreg:$0x6];
	[sflag:s21] =	ssyncadd.s32 $0xFFFFC000  }
0x122: {  	[hbm4b:s0+s3] =	stream.linear.scatter [tilespmem:s4], [sflag:$0x9], $0x4000, $0x38;
	[tilespmem:$0x18200] =	vst v63  }
0x123: {  	_ =	swait.ge [sflag:s22], $0x4000  }
0x124: {  	[sflag:s22] =	ssyncset.done $0x0  }
0x125: {  	[sflag:s22] =	ssyncadd.s32 $0xFFFFC000  }
0x126: {  	v3 =	vld [tilespmem:$0x100];
	_ =	sdelay $0x4  }
0x127: {  	v48 =	vshll.u32 v3, $0x2  }
0x128: {  	v3 =	vand.u32 $0x7, v3;
	v4 =	vand.u32 $0xFFFFFFE0, v48  }
0x129: {  	v3 =	vor.u32 v3, v4  }
0x12a: {  	v4 =	vperm.xlane v3, v0;
	_ =	sdelay $0x1  }
0x12b: {  	v4 =	vadd.s32 v1, v4;
	_ =	sdelay $0x1  }
0x12c: {  	v3 =	vperm.xlane v3, v2;
	_ =	sdelay $0x1  }
0x12d: {  	v3 =	vadd.s32 v1, v3  }
0x12e: {  	[tilespmem:s4], [sflag:$0x3] =	stream.indirect_vreg.gather [hbm4b:s1+s3], $0x80, v4, vm0, $0xb8;
	[tilespmem:$0x18200] =	vst v63  }
0x12f: {  	s2 =	simm.s32 $0x8A00  }
0x130: {  	[tilespmem:s2], [sflag:$0x3] =	stream.indirect_vreg.gather [hbm4b:s5+s3], $0x80, v4, vm0, $0xb8;
	[tilespmem:$0x18200] =	vst v63  }
0x131: {  	s17 =	simm.s32 $0x9200  }
0x132: {  	[tilespmem:s17], [sflag:$0x3] =	stream.indirect_vreg.gather [hbm4b:s1+s3], $0x80, v3, vm0, $0xb8;
	[tilespmem:$0x18200] =	vst v63  }
0x133: {  	s31 =	simm.s32 $0x9A00  }
0x134: {  	[tilespmem:s31], [sflag:$0x3] =	stream.indirect_vreg.gather [hbm4b:s5+s3], $0x80, v3, vm0, $0xb8;
	[tilespmem:$0x18200] =	vst v63  }
0x135: {  	v3 =	vld [tilespmem:$0x110];
	_ =	sdelay $0x4  }
0x136: {  	v49 =	vshll.u32 v3, $0x2  }
0x137: {  	v3 =	vand.u32 $0x7, v3;
	v4 =	vand.u32 $0xFFFFFFE0, v49  }
0x138: {  	v3 =	vor.u32 v3, v4  }
0x139: {  	v4 =	vperm.xlane v3, v0;
	_ =	sdelay $0x1  }
0x13a: {  	v4 =	vadd.s32 v1, v4;
	_ =	sdelay $0x1  }
0x13b: {  	v3 =	vperm.xlane v3, v2;
	_ =	sdelay $0x1  }
0x13c: {  	s2 =	simm.s32 $0xA200;
	v3 =	vadd.s32 v1, v3  }
0x13d: {  	[tilespmem:s2], [sflag:$0x3] =	stream.indirect_vreg.gather [hbm4b:s1+s3], $0x80, v4, vm0, $0xb8;
	[tilespmem:$0x18200] =	vst v63  }
0x13e: {  	s17 =	simm.s32 $0xAA00  }
0x13f: {  	[tilespmem:s17], [sflag:$0x3] =	stream.indirect_vreg.gather [hbm4b:s5+s3], $0x80, v4, vm0, $0xb8;
	[tilespmem:$0x18200] =	vst v63  }
0x140: {  	s31 =	simm.s32 $0xB200  }
0x141: {  	[tilespmem:s31], [sflag:$0x3] =	stream.indirect_vreg.gather [hbm4b:s1+s3], $0x80, v3, vm0, $0xb8;
	[tilespmem:$0x18200] =	vst v63  }
0x142: {  	s2 =	simm.s32 $0xBA00  }
0x143: {  	[tilespmem:s2], [sflag:$0x3] =	stream.indirect_vreg.gather [hbm4b:s5+s3], $0x80, v3, vm0, $0xb8;
	[tilespmem:$0x18200] =	vst v63  }
0x144: {  	_ =	swait.ge [sflag:s23], $0x4000  }
0x145: {  	[sflag:s23] =	ssyncset.done $0x0  }
0x146: {  	s17 =	rddreg [dreg:$0x7];
	[sflag:s23] =	ssyncadd.s32 $0xFFFFC000  }
0x147: {  	[hbm4b:s17+s3] =	stream.linear.scatter [tilespmem:s26], [sflag:$0xA], $0x4000, $0x38;
	[tilespmem:$0x18200] =	vst v63  }
0x148: {  	_ =	swait.ge [sflag:s25], $0x4000  }
0x149: {  	[sflag:s25] =	ssyncset.done $0x0  }
0x14a: {  	[sflag:s25] =	ssyncadd.s32 $0xFFFFC000  }
0x14b: {  	v3 =	vld [tilespmem:$0x120];
	_ =	sdelay $0x4  }
0x14c: {  	v50 =	vshll.u32 v3, $0x2  }
0x14d: {  	v3 =	vand.u32 $0x7, v3;
	v4 =	vand.u32 $0xFFFFFFE0, v50  }
0x14e: {  	v3 =	vor.u32 v3, v4  }
0x14f: {  	v4 =	vperm.xlane v3, v0;
	_ =	sdelay $0x1  }
0x150: {  	v4 =	vadd.s32 v1, v4;
	_ =	sdelay $0x1  }
0x151: {  	v3 =	vperm.xlane v3, v2;
	_ =	sdelay $0x1  }
0x152: {  	v3 =	vadd.s32 v1, v3  }
0x153: {  	[tilespmem:s26], [sflag:$0x4] =	stream.indirect_vreg.gather [hbm4b:s1+s3], $0x80, v4, vm0, $0xb8;
	[tilespmem:$0x18200] =	vst v63  }
0x154: {  	s31 =	simm.s32 $0xCA00  }
0x155: {  	[tilespmem:s31], [sflag:$0x4] =	stream.indirect_vreg.gather [hbm4b:s5+s3], $0x80, v4, vm0, $0xb8;
	[tilespmem:$0x18200] =	vst v63  }
0x156: {  	s2 =	simm.s32 $0xD200  }
0x157: {  	[tilespmem:s2], [sflag:$0x4] =	stream.indirect_vreg.gather [hbm4b:s1+s3], $0x80, v3, vm0, $0xb8;
	[tilespmem:$0x18200] =	vst v63  }
0x158: {  	s17 =	simm.s32 $0xDA00  }
0x159: {  	[tilespmem:s17], [sflag:$0x4] =	stream.indirect_vreg.gather [hbm4b:s5+s3], $0x80, v3, vm0, $0xb8;
	[tilespmem:$0x18200] =	vst v63  }
0x15a: {  	v3 =	vld [tilespmem:$0x130];
	_ =	sdelay $0x4  }
0x15b: {  	v51 =	vshll.u32 v3, $0x2  }
0x15c: {  	v3 =	vand.u32 $0x7, v3;
	v4 =	vand.u32 $0xFFFFFFE0, v51  }
0x15d: {  	v3 =	vor.u32 v3, v4  }
0x15e: {  	v4 =	vperm.xlane v3, v0;
	_ =	sdelay $0x1  }
0x15f: {  	v4 =	vadd.s32 v1, v4;
	_ =	sdelay $0x1  }
0x160: {  	v3 =	vperm.xlane v3, v2;
	_ =	sdelay $0x1  }
0x161: {  	s31 =	simm.s32 $0xE200;
	v3 =	vadd.s32 v1, v3  }
0x162: {  	[tilespmem:s31], [sflag:$0x4] =	stream.indirect_vreg.gather [hbm4b:s1+s3], $0x80, v4, vm0, $0xb8;
	[tilespmem:$0x18200] =	vst v63  }
0x163: {  	s2 =	simm.s32 $0xEA00  }
0x164: {  	[tilespmem:s2], [sflag:$0x4] =	stream.indirect_vreg.gather [hbm4b:s5+s3], $0x80, v4, vm0, $0xb8;
	[tilespmem:$0x18200] =	vst v63  }
0x165: {  	s17 =	simm.s32 $0xF200  }
0x166: {  	[tilespmem:s17], [sflag:$0x4] =	stream.indirect_vreg.gather [hbm4b:s1+s3], $0x80, v3, vm0, $0xb8;
	[tilespmem:$0x18200] =	vst v63  }
0x167: {  	s0 =	simm.s32 $0x5;
	s31 =	simm.s32 $0xFA00  }
0x168: {  	[tilespmem:s31], [sflag:$0x4] =	stream.indirect_vreg.gather [hbm4b:s5+s3], $0x80, v3, vm0, $0xb8;
	[tilespmem:$0x18200] =	vst v63  }
0x169: {  	_ =	swait.ge [sflag:s0], $0x4000  }
0x16a: {  	[sflag:s0] =	ssyncset.done $0x0  }
0x16b: {  	s17 =	simm.s32 $0x10200;
	s2 =	rddreg [dreg:$0x8];
	[sflag:s0] =	ssyncadd.s32 $0xFFFFC000  }
0x16c: {  	[hbm4b:s2+s3] =	stream.linear.scatter [tilespmem:s17], [sflag:$0xB], $0x4000, $0x38;
	[tilespmem:$0x18200] =	vst v63  }
0x16d: {  	s2 =	simm.s32 $0xB  }
0x16e: {  	_ =	swait.ge [sflag:s2], $0x4000  }
0x16f: {  	[sflag:s2] =	ssyncset.done $0x0  }
0x170: {  	[sflag:s2] =	ssyncadd.s32 $0xFFFFC000  }
0x171: {  	v3 =	vld [tilespmem:$0x140];
	_ =	sdelay $0x4  }
0x172: {  	v52 =	vshll.u32 v3, $0x2  }
0x173: {  	v3 =	vand.u32 $0x7, v3;
	v4 =	vand.u32 $0xFFFFFFE0, v52  }
0x174: {  	v3 =	vor.u32 v3, v4  }
0x175: {  	v4 =	vperm.xlane v3, v0;
	_ =	sdelay $0x1  }
0x176: {  	v4 =	vadd.s32 v1, v4;
	_ =	sdelay $0x1  }
0x177: {  	v3 =	vperm.xlane v3, v2;
	_ =	sdelay $0x1  }
0x178: {  	v3 =	vadd.s32 v1, v3  }
0x179: {  	[tilespmem:s17], [sflag:$0x5] =	stream.indirect_vreg.gather [hbm4b:s1+s3], $0x80, v4, vm0, $0xb8;
	[tilespmem:$0x18200] =	vst v63  }
0x17a: {  	_ = 	snop  }
0x17b: {  	[tilespmem:s8], [sflag:$0x5] =	stream.indirect_vreg.gather [hbm4b:s5+s3], $0x80, v4, vm0, $0xb8;
	[tilespmem:$0x18200] =	vst v63  }
0x17c: {  	_ = 	snop  }
0x17d: {  	[tilespmem:s14], [sflag:$0x5] =	stream.indirect_vreg.gather [hbm4b:s1+s3], $0x80, v3, vm0, $0xb8;
	[tilespmem:$0x18200] =	vst v63  }
0x17e: {  	_ = 	snop  }
0x17f: {  	[tilespmem:s15], [sflag:$0x5] =	stream.indirect_vreg.gather [hbm4b:s5+s3], $0x80, v3, vm0, $0xb8;
	[tilespmem:$0x18200] =	vst v63  }
0x180: {  	v3 =	vld [tilespmem:$0x150];
	_ =	sdelay $0x4  }
0x181: {  	v53 =	vshll.u32 v3, $0x2  }
0x182: {  	v3 =	vand.u32 $0x7, v3;
	v4 =	vand.u32 $0xFFFFFFE0, v53  }
0x183: {  	v3 =	vor.u32 v3, v4  }
0x184: {  	v4 =	vperm.xlane v3, v0;
	_ =	sdelay $0x1  }
0x185: {  	v4 =	vadd.s32 v1, v4;
	_ =	sdelay $0x1  }
0x186: {  	v3 =	vperm.xlane v3, v2;
	_ =	sdelay $0x1  }
0x187: {  	v3 =	vadd.s32 v1, v3  }
0x188: {  	[tilespmem:s11], [sflag:$0x5] =	stream.indirect_vreg.gather [hbm4b:s1+s3], $0x80, v4, vm0, $0xb8;
	[tilespmem:$0x18200] =	vst v63  }
0x189: {  	_ = 	snop  }
0x18a: {  	[tilespmem:s7], [sflag:$0x5] =	stream.indirect_vreg.gather [hbm4b:s5+s3], $0x80, v4, vm0, $0xb8;
	[tilespmem:$0x18200] =	vst v63  }
0x18b: {  	_ = 	snop  }
0x18c: {  	[tilespmem:s9], [sflag:$0x5] =	stream.indirect_vreg.gather [hbm4b:s1+s3], $0x80, v3, vm0, $0xb8;
	[tilespmem:$0x18200] =	vst v63  }
0x18d: {  	s7 =	simm.s32 $0x6  }
0x18e: {  	[tilespmem:s10], [sflag:$0x5] =	stream.indirect_vreg.gather [hbm4b:s5+s3], $0x80, v3, vm0, $0xb8;
	[tilespmem:$0x18200] =	vst v63  }
0x18f: {  	_ =	swait.ge [sflag:s7], $0x4000  }
0x190: {  	s8 =	simm.s32 $0xC;
	[sflag:s7] =	ssyncset.done $0x0  }
0x191: {  	s10 =	simm.s32 $0x14200;
	s9 =	rddreg [dreg:$0x9];
	[sflag:s7] =	ssyncadd.s32 $0xFFFFC000  }
0x192: {  	[hbm4b:s9+s3] =	stream.linear.scatter [tilespmem:s10], [sflag:$0xC], $0x4000, $0x38;
	[tilespmem:$0x18200] =	vst v63  }
0x193: {  	_ =	swait.ge [sflag:s8], $0x4000  }
0x194: {  	[sflag:s8] =	ssyncset.done $0x0  }
0x195: {  	[sflag:s8] =	ssyncadd.s32 $0xFFFFC000  }
0x196: {  	v3 =	vld [tilespmem:$0x160];
	_ =	sdelay $0x4  }
0x197: {  	v54 =	vshll.u32 v3, $0x2  }
0x198: {  	v3 =	vand.u32 $0x7, v3;
	v4 =	vand.u32 $0xFFFFFFE0, v54  }
0x199: {  	v3 =	vor.u32 v3, v4  }
0x19a: {  	v4 =	vperm.xlane v3, v0;
	_ =	sdelay $0x1  }
0x19b: {  	v4 =	vadd.s32 v1, v4;
	_ =	sdelay $0x1  }
0x19c: {  	v3 =	vperm.xlane v3, v2;
	_ =	sdelay $0x1  }
0x19d: {  	v3 =	vadd.s32 v1, v3  }
0x19e: {  	[tilespmem:s10], [sflag:$0x6] =	stream.indirect_vreg.gather [hbm4b:s1+s3], $0x80, v4, vm0, $0xb8;
	[tilespmem:$0x18200] =	vst v63  }
0x19f: {  	s31 =	simm.s32 $0x14A00  }
0x1a0: {  	[tilespmem:s31], [sflag:$0x6] =	stream.indirect_vreg.gather [hbm4b:s5+s3], $0x80, v4, vm0, $0xb8;
	[tilespmem:$0x18200] =	vst v63  }
0x1a1: {  	_ = 	snop  }
0x1a2: {  	[tilespmem:s13], [sflag:$0x6] =	stream.indirect_vreg.gather [hbm4b:s1+s3], $0x80, v3, vm0, $0xb8;
	[tilespmem:$0x18200] =	vst v63  }
0x1a3: {  	_ = 	snop  }
0x1a4: {  	[tilespmem:s28], [sflag:$0x6] =	stream.indirect_vreg.gather [hbm4b:s5+s3], $0x80, v3, vm0, $0xb8;
	[tilespmem:$0x18200] =	vst v63  }
0x1a5: {  	v3 =	vld [tilespmem:$0x170];
	_ =	sdelay $0x4  }
0x1a6: {  	v55 =	vshll.u32 v3, $0x2  }
0x1a7: {  	v3 =	vand.u32 $0x7, v3;
	v4 =	vand.u32 $0xFFFFFFE0, v55  }
0x1a8: {  	v3 =	vor.u32 v3, v4  }
0x1a9: {  	v4 =	vperm.xlane v3, v0;
	_ =	sdelay $0x1  }
0x1aa: {  	v4 =	vadd.s32 v1, v4;
	_ =	sdelay $0x1  }
0x1ab: {  	v3 =	vperm.xlane v3, v2;
	_ =	sdelay $0x1  }
0x1ac: {  	v3 =	vadd.s32 v1, v3  }
0x1ad: {  	[tilespmem:s29], [sflag:$0x6] =	stream.indirect_vreg.gather [hbm4b:s1+s3], $0x80, v4, vm0, $0xb8;
	[tilespmem:$0x18200] =	vst v63  }
0x1ae: {  	_ = 	snop  }
0x1af: {  	[tilespmem:s30], [sflag:$0x6] =	stream.indirect_vreg.gather [hbm4b:s5+s3], $0x80, v4, vm0, $0xb8;
	[tilespmem:$0x18200] =	vst v63  }
0x1b0: {  	s31 =	simm.s32 $0x17200  }
0x1b1: {  	[tilespmem:s31], [sflag:$0x6] =	stream.indirect_vreg.gather [hbm4b:s1+s3], $0x80, v3, vm0, $0xb8;
	[tilespmem:$0x18200] =	vst v63  }
0x1b2: {  	s31 =	simm.s32 $0x17A00  }
0x1b3: {  	[tilespmem:s31], [sflag:$0x6] =	stream.indirect_vreg.gather [hbm4b:s5+s3], $0x80, v3, vm0, $0xb8;
	[tilespmem:$0x18200] =	vst v63  }
0x1b4: {  	_ =	swait.ge [sflag:s12], $0x4000  }
0x1b5: {  	[sflag:s12] =	ssyncset.done $0x0  }
0x1b6: {  	s10 =	rddreg [dreg:$0xa];
	[sflag:s12] =	ssyncadd.s32 $0xFFFFC000  }
0x1b7: {  	[hbm4b:s10+s3] =	stream.linear.scatter [tilespmem:s16], [sflag:$0x7], $0x4000, $0x38;
	[tilespmem:$0x18200] =	vst v63  }
0x1b8: {  	_ =	swait.ge [sflag:s18], $0x4000  }
0x1b9: {  	[sflag:s18] =	ssyncset.done $0x0  }
0x1ba: {  	[sflag:s18] =	ssyncadd.s32 $0xFFFFC000  }
0x1bb: {  	v3 =	vld [tilespmem:$0x180];
	_ =	sdelay $0x4  }
0x1bc: {  	v56 =	vshll.u32 v3, $0x2  }
0x1bd: {  	v3 =	vand.u32 $0x7, v3;
	v4 =	vand.u32 $0xFFFFFFE0, v56  }
0x1be: {  	v3 =	vor.u32 v3, v4  }
0x1bf: {  	v4 =	vperm.xlane v3, v0;
	_ =	sdelay $0x1  }
0x1c0: {  	v4 =	vadd.s32 v1, v4;
	_ =	sdelay $0x1  }
0x1c1: {  	v3 =	vperm.xlane v3, v2;
	_ =	sdelay $0x1  }
0x1c2: {  	v3 =	vadd.s32 v1, v3  }
0x1c3: {  	[tilespmem:s16], [sflag:$0x1] =	stream.indirect_vreg.gather [hbm4b:s1+s3], $0x80, v4, vm0, $0xb8;
	[tilespmem:$0x18200] =	vst v63  }
0x1c4: {  	s31 =	simm.s32 $0xA00  }
0x1c5: {  	[tilespmem:s31], [sflag:$0x1] =	stream.indirect_vreg.gather [hbm4b:s5+s3], $0x80, v4, vm0, $0xb8;
	[tilespmem:$0x18200] =	vst v63  }
0x1c6: {  	s31 =	simm.s32 $0x1200  }
0x1c7: {  	[tilespmem:s31], [sflag:$0x1] =	stream.indirect_vreg.gather [hbm4b:s1+s3], $0x80, v3, vm0, $0xb8;
	[tilespmem:$0x18200] =	vst v63  }
0x1c8: {  	s31 =	simm.s32 $0x1A00  }
0x1c9: {  	[tilespmem:s31], [sflag:$0x1] =	stream.indirect_vreg.gather [hbm4b:s5+s3], $0x80, v3, vm0, $0xb8;
	[tilespmem:$0x18200] =	vst v63  }
0x1ca: {  	v3 =	vld [tilespmem:$0x190];
	_ =	sdelay $0x4  }
0x1cb: {  	v57 =	vshll.u32 v3, $0x2  }
0x1cc: {  	v3 =	vand.u32 $0x7, v3;
	v4 =	vand.u32 $0xFFFFFFE0, v57  }
0x1cd: {  	v3 =	vor.u32 v3, v4  }
0x1ce: {  	v4 =	vperm.xlane v3, v0;
	_ =	sdelay $0x1  }
0x1cf: {  	v4 =	vadd.s32 v1, v4;
	_ =	sdelay $0x1  }
0x1d0: {  	v3 =	vperm.xlane v3, v2;
	_ =	sdelay $0x1  }
0x1d1: {  	s31 =	simm.s32 $0x2200;
	v3 =	vadd.s32 v1, v3  }
0x1d2: {  	[tilespmem:s31], [sflag:$0x1] =	stream.indirect_vreg.gather [hbm4b:s1+s3], $0x80, v4, vm0, $0xb8;
	[tilespmem:$0x18200] =	vst v63  }
0x1d3: {  	s31 =	simm.s32 $0x2A00  }
0x1d4: {  	[tilespmem:s31], [sflag:$0x1] =	stream.indirect_vreg.gather [hbm4b:s5+s3], $0x80, v4, vm0, $0xb8;
	[tilespmem:$0x18200] =	vst v63  }
0x1d5: {  	s31 =	simm.s32 $0x3200  }
0x1d6: {  	[tilespmem:s31], [sflag:$0x1] =	stream.indirect_vreg.gather [hbm4b:s1+s3], $0x80, v3, vm0, $0xb8;
	[tilespmem:$0x18200] =	vst v63  }
0x1d7: {  	s31 =	simm.s32 $0x3A00  }
0x1d8: {  	[tilespmem:s31], [sflag:$0x1] =	stream.indirect_vreg.gather [hbm4b:s5+s3], $0x80, v3, vm0, $0xb8;
	[tilespmem:$0x18200] =	vst v63  }
0x1d9: {  	_ =	swait.ge [sflag:s19], $0x4000  }
0x1da: {  	[sflag:s19] =	ssyncset.done $0x0  }
0x1db: {  	s10 =	rddreg [dreg:$0xb];
	[sflag:s19] =	ssyncadd.s32 $0xFFFFC000  }
0x1dc: {  	[hbm4b:s10+s3] =	stream.linear.scatter [tilespmem:s24], [sflag:$0x8], $0x4000, $0x38;
	[tilespmem:$0x18200] =	vst v63  }
0x1dd: {  	_ =	swait.ge [sflag:s20], $0x4000  }
0x1de: {  	[sflag:s20] =	ssyncset.done $0x0  }
0x1df: {  	[sflag:s20] =	ssyncadd.s32 $0xFFFFC000  }
0x1e0: {  	v3 =	vld [tilespmem:$0x1A0];
	_ =	sdelay $0x4  }
0x1e1: {  	v58 =	vshll.u32 v3, $0x2  }
0x1e2: {  	v3 =	vand.u32 $0x7, v3;
	v4 =	vand.u32 $0xFFFFFFE0, v58  }
0x1e3: {  	v3 =	vor.u32 v3, v4  }
0x1e4: {  	v4 =	vperm.xlane v3, v0;
	_ =	sdelay $0x1  }
0x1e5: {  	v4 =	vadd.s32 v1, v4;
	_ =	sdelay $0x1  }
0x1e6: {  	v3 =	vperm.xlane v3, v2;
	_ =	sdelay $0x1  }
0x1e7: {  	v3 =	vadd.s32 v1, v3  }
0x1e8: {  	[tilespmem:s24], [sflag:$0x2] =	stream.indirect_vreg.gather [hbm4b:s1+s3], $0x80, v4, vm0, $0xb8;
	[tilespmem:$0x18200] =	vst v63  }
0x1e9: {  	s31 =	simm.s32 $0x4A00  }
0x1ea: {  	[tilespmem:s31], [sflag:$0x2] =	stream.indirect_vreg.gather [hbm4b:s5+s3], $0x80, v4, vm0, $0xb8;
	[tilespmem:$0x18200] =	vst v63  }
0x1eb: {  	s31 =	simm.s32 $0x5200  }
0x1ec: {  	[tilespmem:s31], [sflag:$0x2] =	stream.indirect_vreg.gather [hbm4b:s1+s3], $0x80, v3, vm0, $0xb8;
	[tilespmem:$0x18200] =	vst v63  }
0x1ed: {  	s31 =	simm.s32 $0x5A00  }
0x1ee: {  	[tilespmem:s31], [sflag:$0x2] =	stream.indirect_vreg.gather [hbm4b:s5+s3], $0x80, v3, vm0, $0xb8;
	[tilespmem:$0x18200] =	vst v63  }
0x1ef: {  	v3 =	vld [tilespmem:$0x1B0];
	_ =	sdelay $0x4  }
0x1f0: {  	v59 =	vshll.u32 v3, $0x2  }
0x1f1: {  	v3 =	vand.u32 $0x7, v3;
	v4 =	vand.u32 $0xFFFFFFE0, v59  }
0x1f2: {  	v3 =	vor.u32 v3, v4  }
0x1f3: {  	v4 =	vperm.xlane v3, v0;
	_ =	sdelay $0x1  }
0x1f4: {  	v4 =	vadd.s32 v1, v4;
	_ =	sdelay $0x1  }
0x1f5: {  	v3 =	vperm.xlane v3, v2;
	_ =	sdelay $0x1  }
0x1f6: {  	s31 =	simm.s32 $0x6200;
	v3 =	vadd.s32 v1, v3  }
0x1f7: {  	[tilespmem:s31], [sflag:$0x2] =	stream.indirect_vreg.gather [hbm4b:s1+s3], $0x80, v4, vm0, $0xb8;
	[tilespmem:$0x18200] =	vst v63  }
0x1f8: {  	s31 =	simm.s32 $0x6A00  }
0x1f9: {  	[tilespmem:s31], [sflag:$0x2] =	stream.indirect_vreg.gather [hbm4b:s5+s3], $0x80, v4, vm0, $0xb8;
	[tilespmem:$0x18200] =	vst v63  }
0x1fa: {  	s31 =	simm.s32 $0x7200  }
0x1fb: {  	[tilespmem:s31], [sflag:$0x2] =	stream.indirect_vreg.gather [hbm4b:s1+s3], $0x80, v3, vm0, $0xb8;
	[tilespmem:$0x18200] =	vst v63  }
0x1fc: {  	s31 =	simm.s32 $0x7A00  }
0x1fd: {  	[tilespmem:s31], [sflag:$0x2] =	stream.indirect_vreg.gather [hbm4b:s5+s3], $0x80, v3, vm0, $0xb8;
	[tilespmem:$0x18200] =	vst v63  }
0x1fe: {  	_ =	swait.ge [sflag:s21], $0x4000  }
0x1ff: {  	[sflag:s21] =	ssyncset.done $0x0  }
0x200: {  	s10 =	rddreg [dreg:$0xc];
	[sflag:s21] =	ssyncadd.s32 $0xFFFFC000  }
0x201: {  	[hbm4b:s10+s3] =	stream.linear.scatter [tilespmem:s4], [sflag:$0x9], $0x4000, $0x38;
	[tilespmem:$0x18200] =	vst v63  }
0x202: {  	_ =	swait.ge [sflag:s22], $0x4000  }
0x203: {  	[sflag:s22] =	ssyncset.done $0x0  }
0x204: {  	[sflag:s22] =	ssyncadd.s32 $0xFFFFC000  }
0x205: {  	v3 =	vld [tilespmem:$0x1C0];
	_ =	sdelay $0x4  }
0x206: {  	v60 =	vshll.u32 v3, $0x2  }
0x207: {  	v3 =	vand.u32 $0x7, v3;
	v4 =	vand.u32 $0xFFFFFFE0, v60  }
0x208: {  	v3 =	vor.u32 v3, v4  }
0x209: {  	v4 =	vperm.xlane v3, v0;
	_ =	sdelay $0x1  }
0x20a: {  	v4 =	vadd.s32 v1, v4;
	_ =	sdelay $0x1  }
0x20b: {  	v3 =	vperm.xlane v3, v2;
	_ =	sdelay $0x1  }
0x20c: {  	v3 =	vadd.s32 v1, v3  }
0x20d: {  	[tilespmem:s4], [sflag:$0x3] =	stream.indirect_vreg.gather [hbm4b:s1+s3], $0x80, v4, vm0, $0xb8;
	[tilespmem:$0x18200] =	vst v63  }
0x20e: {  	s31 =	simm.s32 $0x8A00  }
0x20f: {  	[tilespmem:s31], [sflag:$0x3] =	stream.indirect_vreg.gather [hbm4b:s5+s3], $0x80, v4, vm0, $0xb8;
	[tilespmem:$0x18200] =	vst v63  }
0x210: {  	s31 =	simm.s32 $0x9200  }
0x211: {  	[tilespmem:s31], [sflag:$0x3] =	stream.indirect_vreg.gather [hbm4b:s1+s3], $0x80, v3, vm0, $0xb8;
	[tilespmem:$0x18200] =	vst v63  }
0x212: {  	s31 =	simm.s32 $0x9A00  }
0x213: {  	[tilespmem:s31], [sflag:$0x3] =	stream.indirect_vreg.gather [hbm4b:s5+s3], $0x80, v3, vm0, $0xb8;
	[tilespmem:$0x18200] =	vst v63  }
0x214: {  	v3 =	vld [tilespmem:$0x1D0];
	_ =	sdelay $0x4  }
0x215: {  	v61 =	vshll.u32 v3, $0x2  }
0x216: {  	v3 =	vand.u32 $0x7, v3;
	v4 =	vand.u32 $0xFFFFFFE0, v61  }
0x217: {  	v3 =	vor.u32 v3, v4  }
0x218: {  	v4 =	vperm.xlane v3, v0;
	_ =	sdelay $0x1  }
0x219: {  	v4 =	vadd.s32 v1, v4;
	_ =	sdelay $0x1  }
0x21a: {  	v3 =	vperm.xlane v3, v2;
	_ =	sdelay $0x1  }
0x21b: {  	s31 =	simm.s32 $0xA200;
	v3 =	vadd.s32 v1, v3  }
0x21c: {  	[tilespmem:s31], [sflag:$0x3] =	stream.indirect_vreg.gather [hbm4b:s1+s3], $0x80, v4, vm0, $0xb8;
	[tilespmem:$0x18200] =	vst v63  }
0x21d: {  	s31 =	simm.s32 $0xAA00  }
0x21e: {  	[tilespmem:s31], [sflag:$0x3] =	stream.indirect_vreg.gather [hbm4b:s5+s3], $0x80, v4, vm0, $0xb8;
	[tilespmem:$0x18200] =	vst v63  }
0x21f: {  	s31 =	simm.s32 $0xB200  }
0x220: {  	[tilespmem:s31], [sflag:$0x3] =	stream.indirect_vreg.gather [hbm4b:s1+s3], $0x80, v3, vm0, $0xb8;
	[tilespmem:$0x18200] =	vst v63  }
0x221: {  	s31 =	simm.s32 $0xBA00  }
0x222: {  	[tilespmem:s31], [sflag:$0x3] =	stream.indirect_vreg.gather [hbm4b:s5+s3], $0x80, v3, vm0, $0xb8;
	[tilespmem:$0x18200] =	vst v63  }
0x223: {  	_ =	swait.ge [sflag:s23], $0x4000  }
0x224: {  	[sflag:s23] =	ssyncset.done $0x0  }
0x225: {  	s10 =	rddreg [dreg:$0xd];
	[sflag:s23] =	ssyncadd.s32 $0xFFFFC000  }
0x226: {  	[hbm4b:s10+s3] =	stream.linear.scatter [tilespmem:s26], [sflag:$0xA], $0x4000, $0x38;
	[tilespmem:$0x18200] =	vst v63  }
0x227: {  	_ =	swait.ge [sflag:s25], $0x4000  }
0x228: {  	[sflag:s25] =	ssyncset.done $0x0  }
0x229: {  	[sflag:s25] =	ssyncadd.s32 $0xFFFFC000  }
0x22a: {  	v3 =	vld [tilespmem:$0x1E0];
	_ =	sdelay $0x4  }
0x22b: {  	v62 =	vshll.u32 v3, $0x2  }
0x22c: {  	v3 =	vand.u32 $0x7, v3;
	v4 =	vand.u32 $0xFFFFFFE0, v62  }
0x22d: {  	v3 =	vor.u32 v3, v4  }
0x22e: {  	v4 =	vperm.xlane v3, v0;
	_ =	sdelay $0x1  }
0x22f: {  	v4 =	vadd.s32 v1, v4;
	_ =	sdelay $0x1  }
0x230: {  	v3 =	vperm.xlane v3, v2;
	_ =	sdelay $0x1  }
0x231: {  	v3 =	vadd.s32 v1, v3  }
0x232: {  	[tilespmem:s26], [sflag:$0x4] =	stream.indirect_vreg.gather [hbm4b:s1+s3], $0x80, v4, vm0, $0xb8;
	[tilespmem:$0x18200] =	vst v63  }
0x233: {  	s31 =	simm.s32 $0xCA00  }
0x234: {  	[tilespmem:s31], [sflag:$0x4] =	stream.indirect_vreg.gather [hbm4b:s5+s3], $0x80, v4, vm0, $0xb8;
	[tilespmem:$0x18200] =	vst v63  }
0x235: {  	s31 =	simm.s32 $0xD200  }
0x236: {  	[tilespmem:s31], [sflag:$0x4] =	stream.indirect_vreg.gather [hbm4b:s1+s3], $0x80, v3, vm0, $0xb8;
	[tilespmem:$0x18200] =	vst v63  }
0x237: {  	s31 =	simm.s32 $0xDA00  }
0x238: {  	[tilespmem:s31], [sflag:$0x4] =	stream.indirect_vreg.gather [hbm4b:s5+s3], $0x80, v3, vm0, $0xb8;
	[tilespmem:$0x18200] =	vst v63  }
0x239: {  	v3 =	vld [tilespmem:$0x1F0];
	_ =	sdelay $0x4  }
0x23a: {  	v63 =	vshll.u32 v3, $0x2  }
0x23b: {  	v3 =	vand.u32 $0x7, v3;
	v4 =	vand.u32 $0xFFFFFFE0, v63  }
0x23c: {  	v3 =	vor.u32 v3, v4  }
0x23d: {  	v4 =	vperm.xlane v3, v0;
	_ =	sdelay $0x1  }
0x23e: {  	v4 =	vadd.s32 v1, v4;
	_ =	sdelay $0x1  }
0x23f: {  	v3 =	vperm.xlane v3, v2;
	_ =	sdelay $0x1  }
0x240: {  	s31 =	simm.s32 $0xE200;
	v3 =	vadd.s32 v1, v3  }
0x241: {  	[tilespmem:s31], [sflag:$0x4] =	stream.indirect_vreg.gather [hbm4b:s1+s3], $0x80, v4, vm0, $0xb8;
	[tilespmem:$0x18200] =	vst v63  }
0x242: {  	s31 =	simm.s32 $0xEA00  }
0x243: {  	[tilespmem:s31], [sflag:$0x4] =	stream.indirect_vreg.gather [hbm4b:s5+s3], $0x80, v4, vm0, $0xb8;
	[tilespmem:$0x18200] =	vst v63  }
0x244: {  	s31 =	simm.s32 $0xF200  }
0x245: {  	[tilespmem:s31], [sflag:$0x4] =	stream.indirect_vreg.gather [hbm4b:s1+s3], $0x80, v3, vm0, $0xb8;
	[tilespmem:$0x18200] =	vst v63  }
0x246: {  	s31 =	simm.s32 $0xFA00  }
0x247: {  	[tilespmem:s31], [sflag:$0x4] =	stream.indirect_vreg.gather [hbm4b:s5+s3], $0x80, v3, vm0, $0xb8;
	[tilespmem:$0x18200] =	vst v63  }
0x248: {  	_ =	swait.ge [sflag:s0], $0x4000  }
0x249: {  	[sflag:s0] =	ssyncset.done $0x0  }
0x24a: {  	s17 =	simm.s32 $0x10200;
	s10 =	rddreg [dreg:$0xe];
	[sflag:s0] =	ssyncadd.s32 $0xFFFFC000  }
0x24b: {  	[hbm4b:s10+s3] =	stream.linear.scatter [tilespmem:s17], [sflag:$0xB], $0x4000, $0x38;
	[tilespmem:$0x18200] =	vst v63  }
0x24c: {  	_ =	swait.ge [sflag:s7], $0x4000  }
0x24d: {  	[sflag:s7] =	ssyncset.done $0x0  }
0x24e: {  	s9 =	simm.s32 $0x14200;
	s0 =	rddreg [dreg:$0xf];
	[sflag:s7] =	ssyncadd.s32 $0xFFFFC000  }
0x24f: {  	[hbm4b:s0+s3] =	stream.linear.scatter [tilespmem:s9], [sflag:$0xC], $0x4000, $0x38;
	[tilespmem:$0x18200] =	vst v63  }
0x250: {  	_ =	swait.ge [sflag:s12], $0x4000  }
0x251: {  	[sflag:s12] =	ssyncset.done $0x0  }
0x252: {  	s7 =	rddreg [dreg:$0x10];
	[sflag:s12] =	ssyncadd.s32 $0xFFFFC000  }
0x253: {  	[hbm4b:s7+s3] =	stream.linear.scatter [tilespmem:s16], [sflag:$0x7], $0x4000, $0x38;
	[tilespmem:$0x18200] =	vst v63  }
0x254: {  	_ =	swait.ge [sflag:s19], $0x4000  }
0x255: {  	[sflag:s19] =	ssyncset.done $0x0  }
0x256: {  	s9 =	rddreg [dreg:$0x11];
	[sflag:s19] =	ssyncadd.s32 $0xFFFFC000  }
0x257: {  	[hbm4b:s9+s3] =	stream.linear.scatter [tilespmem:s24], [sflag:$0x8], $0x4000, $0x38;
	[tilespmem:$0x18200] =	vst v63  }
0x258: {  	_ =	swait.ge [sflag:s21], $0x4000  }
0x259: {  	[sflag:s21] =	ssyncset.done $0x0  }
0x25a: {  	s10 =	rddreg [dreg:$0x12];
	[sflag:s21] =	ssyncadd.s32 $0xFFFFC000  }
0x25b: {  	[hbm4b:s10+s3] =	stream.linear.scatter [tilespmem:s4], [sflag:$0x9], $0x4000, $0x38;
	[tilespmem:$0x18200] =	vst v63  }
0x25c: {  	_ =	swait.ge [sflag:s23], $0x4000  }
0x25d: {  	[sflag:s23] =	ssyncset.done $0x0  }
0x25e: {  	s17 =	rddreg [dreg:$0x13];
	[sflag:s23] =	ssyncadd.s32 $0xFFFFC000  }
0x25f: {  	[hbm4b:s17+s3] =	stream.linear.scatter [tilespmem:s26], [sflag:$0xA], $0x4000, $0x38;
	[tilespmem:$0x18200] =	vst v63  }
0x260: {  	_ =	swait.ge [sflag:s2], $0x4000  }
0x261: {  	[sflag:s2] =	ssyncset.done $0x0  }
0x262: {  	[sflag:s2] =	ssyncadd.s32 $0xFFFFC000  }
0x263: {  	_ =	swait.ge [sflag:s8], $0x4000  }
0x264: {  	[sflag:s8] =	ssyncset.done $0x0  }
0x265: {  	[sflag:s8] =	ssyncadd.s32 $0xFFFFC000  }
0x266: {  	_ =	swait.ge [sflag:s18], $0x4000  }
0x267: {  	[sflag:s18] =	ssyncset.done $0x0  }
0x268: {  	[sflag:s18] =	ssyncadd.s32 $0xFFFFC000  }
0x269: {  	_ =	swait.ge [sflag:s20], $0x4000  }
0x26a: {  	[sflag:s20] =	ssyncset.done $0x0  }
0x26b: {  	[sflag:s20] =	ssyncadd.s32 $0xFFFFC000  }
0x26c: {  	p0 =	sne.s32 s6, $0x1;
	_ =	swait.ge [sflag:s22], $0x4000  }
.Ltmp0:
0x26d: {  	[sflag:s22] =	ssyncset.done $0x0;
	(pc) =	sbr.rel @p0 .LBB2_1-.Ltmp0, $4  }
0x26e: {  	[sflag:s22] =	ssyncadd.s32 $0xFFFFC000  }
0x26f: {  	_ =	swait.ge [sflag:s25], $0x4000  }
0x270: {  	[sflag:s25] =	ssyncset.done $0x0  }
0x271: {  	s6 =	sadd.s32 $0xFFFFFFFF, s6;
	[sflag:s25] =	ssyncadd.s32 $0xFFFFC000  }
0x272: {  	_ =	sfence.sel $0x180000  }
0x273: {  	[bflag:$0x0] =	sbarrier.arrive $0xFFFF  }
0x274: {  	_ =	strace $0x90000047  }
0x275: {  	s0 =	stileid.u32;
	[bflag:$0x2] =	sbarrier.arrive $0xFFFF  }
0x276: {  	p0 =	sne.s32 s0, $0x0;
	s0 =	rddreg [dreg:$0x3]  }
0x277: {  	s0 =	sadd.s32 @!p0 $0x100000, s0  }
0x278: {  	[sflag:s0] =	ssyncadd.tile.s32 @!p0 $0x1;
	_ =	shalt  }
.Lfunc_end2:
_tile_overlayer_lowered:
.L_overlay_start_2:
0x279: {  	(tag) =	ssettag $0x2  }
0x27a: {  	s0 =	rddreg [dreg:$0x0];
	s2 =	stileid.u32  }
0x27b: {  	s1 =	rddreg [dreg:$0x1];
	p0 =	sne.s32 s2, $0x0  }
0x27c: {  	s3 =	rddreg [dreg:$0x2];
	[bflag:$0x3] =	sbarrier.arrive $0xFFFF;
	s2 =	simm.s32 @!p0 $0x1C0D  }
0x27d: {  	[timem:s3], [sflag:s2] =	dma.local @!p0 [hbm:s0], s1  }
0x27e: {  	s0 =	simm.s32 @!p0 $0xD  }
0x27f: {  	_ =	swait.ge @!p0 [sflag:s0], s1  }
0x280: {  	s1 =	ssub.s32 @!p0 $0x0, s1;
	[sflag:s0] =	ssyncset.done @!p0 $0x0  }
0x281: {  	[sflag:s0] =	ssyncadd.s32 @!p0 s1  }
0x282: {  	[bflag:$0x3] =	sbarrier.arrive $0xFFFF  }
0x283: {  	_ =	shalt  }

</sc_bundles>
